<compile_context>
chip_gen: v7x
topology: tpu7x:2x2x1
jax: 0.10.2.dev20260603
libtpu: 0.0.44.dev20260713+nightly
codegen_flags: <defaults>
</compile_context>

<pallas_src>
import functools

import jax
import jax.numpy as jnp
from jax import lax
from jax.experimental import pallas as pl
from jax.experimental.pallas import tpu as pltpu
from jax.experimental.pallas import tpu_sc as plsc

EPS = 1e-12
BATCH_BLOCK = 16

NC = 2
NS = 16
NW = NC * NS
HID = 1024

TC_BATCH = 80
SC_ROWS = (128 - TC_BATCH) * 100
RPW = SC_ROWS // NW
CHUNK = 16
NCHUNK = 10

TC_BATCH = 64
SC_ROWS = (128 - TC_BATCH) * 100
RPW = SC_ROWS // NW
CHUNK = 8
NCHUNK = RPW // CHUNK
NBUF = 4


def _ln(x, gamma, beta):
    mu = jnp.mean(x, axis=-1, keepdims=True)
    xc = x - mu
    var = jnp.mean(xc * xc, axis=-1, keepdims=True)
    return xc * jax.lax.rsqrt(var + EPS) * gamma + beta


def _tc_kernel(raw_ref, pos_ref, ag_ref, ab_ref, eg_ref, eb_ref, out_ref):
    emb = _ln(pos_ref[...], eg_ref[0], eb_ref[0])
    x = raw_ref[...]
    out_ref[...] = _ln(x, ag_ref[0], ab_ref[0]) + emb[None, :, :]


def _sc_copy(raw_hbm, out_hbm, b0, b1, b2, b3, s0, s1, s2, s3,
             t0, t1, t2, t3):
    wid = lax.axis_index("s") * NC + lax.axis_index("c")
    rbase = TC_BATCH * 100 + wid * RPW
    wbase = wid * RPW
    bufs = (b0, b1, b2, b3)
    isems = (s0, s1, s2, s3)
    osems = (t0, t1, t2, t3)

    hins = [None] * NCHUNK
    houts = [None] * NCHUNK

    def start_in(j):
        hins[j] = pltpu.async_copy(
            raw_hbm.at[pl.ds(rbase + j * CHUNK, CHUNK), :],
            bufs[j % NBUF], isems[j % NBUF])

    start_in(0)
    start_in(1)
    for i in range(NCHUNK):
        nxt = i + 2
        if nxt < NCHUNK:
            if nxt >= NBUF:
                houts[nxt - NBUF].wait()
            start_in(nxt)
        hins[i].wait()
        houts[i] = pltpu.async_copy(
            bufs[i % NBUF], out_hbm.at[pl.ds(wbase + i * CHUNK, CHUNK), :],
            osems[i % NBUF])
    for i in range(NCHUNK - NBUF + 2, NCHUNK):
        houts[i].wait()


def kernel(raw_dec_emb, pos_table, ans_gamma, ans_beta, emb_gamma, emb_beta):
    batch, seq, hidden = raw_dec_emb.shape

    tc_out = pl.pallas_call(
        _tc_kernel,
        grid=(TC_BATCH // BATCH_BLOCK,),
        in_specs=[
            pl.BlockSpec((BATCH_BLOCK, seq, hidden), lambda i: (i, 0, 0)),
            pl.BlockSpec((seq, hidden), lambda i: (0, 0)),
            pl.BlockSpec((1, hidden), lambda i: (0, 0)),
            pl.BlockSpec((1, hidden), lambda i: (0, 0)),
            pl.BlockSpec((1, hidden), lambda i: (0, 0)),
            pl.BlockSpec((1, hidden), lambda i: (0, 0)),
        ],
        out_specs=pl.BlockSpec((BATCH_BLOCK, seq, hidden), lambda i: (i, 0, 0)),
        out_shape=jax.ShapeDtypeStruct((TC_BATCH, seq, hidden), jnp.float32),
        compiler_params=pltpu.CompilerParams(
            dimension_semantics=("arbitrary",),
        ),
    )(raw_dec_emb, pos_table,
      ans_gamma.reshape(1, hidden), ans_beta.reshape(1, hidden),
      emb_gamma.reshape(1, hidden), emb_beta.reshape(1, hidden))

    flat_hi = raw_dec_emb.reshape(batch * seq, HID)
    mesh = plsc.VectorSubcoreMesh(core_axis_name="c", subcore_axis_name="s")
    sc_out = functools.partial(
        pl.kernel,
        out_type=jax.ShapeDtypeStruct((SC_ROWS, HID), jnp.float32),
        mesh=mesh,
        scratch_types=[
            pltpu.VMEM((CHUNK, HID), jnp.float32),
            pltpu.VMEM((CHUNK, HID), jnp.float32),
            pltpu.VMEM((CHUNK, HID), jnp.float32),
            pltpu.VMEM((CHUNK, HID), jnp.float32),
            pltpu.SemaphoreType.DMA,
            pltpu.SemaphoreType.DMA,
            pltpu.SemaphoreType.DMA,
            pltpu.SemaphoreType.DMA,
            pltpu.SemaphoreType.DMA,
            pltpu.SemaphoreType.DMA,
            pltpu.SemaphoreType.DMA,
            pltpu.SemaphoreType.DMA,
        ],
    )(_sc_copy)(flat_hi)

    return jnp.concatenate(
        [tc_out, sc_out.reshape(batch - TC_BATCH, seq, hidden)], axis=0)

# --- scband reference (transcript-rebuilt; emitter-appended) ---
"""Pipeline reference for scband-position-embeddings-59957743452219 (READ-ONLY COPY).

The authoritative reference and input builder live on the scoring server;
editing this copy changes nothing except your own understanding.
"""

import jax, jax.numpy as jnp
import numpy as np

EPS = 1e-12
MAX_DEC_LENGTH = 100
HIDDEN = 1024

def _layer_norm(x, gamma, beta):
    mu = jnp.mean(x, axis=-1, keepdims=True)
    var = jnp.mean((x - mu) ** 2, axis=-1, keepdims=True)
    return (x - mu) / jnp.sqrt(var + EPS) * gamma + beta

def setup_inputs(seed: int = 0) -> dict:
    key = jax.random.key(seed)
    k1, k2 = jax.random.split(key)
    raw_dec_emb = jax.random.normal(k1, (128, 100, HIDDEN), dtype=jnp.float32)
    pos_table = jax.random.normal(k2, (MAX_DEC_LENGTH, HIDDEN), dtype=jnp.float32) * 0.02
    ans_gamma = jnp.ones((HIDDEN,), dtype=jnp.float32)
    ans_beta = jnp.zeros((HIDDEN,), dtype=jnp.float32)
    emb_gamma = jnp.ones((HIDDEN,), dtype=jnp.float32)
    emb_beta = jnp.zeros((HIDDEN,), dtype=jnp.float32)
    return {"raw_dec_emb": raw_dec_emb, "pos_table": pos_table,
            "ans_gamma": ans_gamma, "ans_beta": ans_beta,
            "emb_gamma": emb_gamma, "emb_beta": emb_beta}

def reference(raw_dec_emb, pos_table, ans_gamma, ans_beta, emb_gamma, emb_beta):
    batch_size, seq_length, _ = raw_dec_emb.shape
    dec_emb = _layer_norm(raw_dec_emb, ans_gamma, ans_beta)
    position_ids = jnp.arange(seq_length, dtype=jnp.int32)
    position_ids = jnp.broadcast_to(position_ids[None, :], (batch_size, seq_length))
    position_embeddings = jnp.take(pos_table, position_ids, axis=0)
    embeddings = _layer_norm(position_embeddings, emb_gamma, emb_beta)
    # dropout is identity in eval mode
    dec_emb = dec_emb + embeddings
    return dec_emb

if __name__ == "__main__":
    import jax
    _d = setup_inputs()
    print(jax.jit(kernel)(*tuple(_d.values())))

</pallas_src>

<mosaic_0001>
#map = affine_map<(d0, d1) -> (0, 0)>
module attributes {stable_mosaic.version = 14 : i64} {
  func.func @_sc_copy(%arg0: i32, %arg1: i32, %arg2: memref<12800x1024xf32, #tpu.memory_space<hbm>>, %arg3: memref<6400x1024xf32, #tpu.memory_space<hbm>>, %arg4: memref<8x1024xf32, #tpu.memory_space<vmem>>, %arg5: memref<8x1024xf32, #tpu.memory_space<vmem>>, %arg6: memref<8x1024xf32, #tpu.memory_space<vmem>>, %arg7: memref<8x1024xf32, #tpu.memory_space<vmem>>, %arg8: memref<!tpu.dma_semaphore, #tpu.memory_space<semaphore_mem>>, %arg9: memref<!tpu.dma_semaphore, #tpu.memory_space<semaphore_mem>>, %arg10: memref<!tpu.dma_semaphore, #tpu.memory_space<semaphore_mem>>, %arg11: memref<!tpu.dma_semaphore, #tpu.memory_space<semaphore_mem>>, %arg12: memref<!tpu.dma_semaphore, #tpu.memory_space<semaphore_mem>>, %arg13: memref<!tpu.dma_semaphore, #tpu.memory_space<semaphore_mem>>, %arg14: memref<!tpu.dma_semaphore, #tpu.memory_space<semaphore_mem>>, %arg15: memref<!tpu.dma_semaphore, #tpu.memory_space<semaphore_mem>>) attributes {dimension_semantics = [#tpu.dimension_semantics<core_parallel>, #tpu.dimension_semantics<subcore_parallel>], iteration_bounds = array<i64: 2, 16>, scalar_prefetch = 0 : i64, scratch_operands = 12 : i64, tpu.core_type = #tpu.core_type<sc_vector_subcore>, window_params = [{transform_indices = #map}, {transform_indices = #map}]} {
    %mul3A = arith.constant 2 : i32
    %mul3A_0 = arith.muli %arg1, %mul3A : i32
    %add3A = arith.addi %mul3A_0, %arg0 : i32
    %mul3A_1 = arith.constant 200 : i32
    %mul3A_2 = arith.muli %add3A, %mul3A_1 : i32
    %add3A_3 = arith.constant 6400 : i32
    %add3A_4 = arith.addi %add3A_3, %mul3A_2 : i32
    %mul3A_5 = arith.constant 200 : i32
    %mul3A_6 = arith.muli %add3A, %mul3A_5 : i32
    %add3A_7 = arith.constant 0 : i32
    %add3A_8 = arith.addi %add3A_4, %add3A_7 : i32
    %dma_start3A = arith.constant 0 : i32
    %dma_start3A_9 = tpu.memref_slice %arg2[%add3A_8, %dma_start3A] : memref<12800x1024xf32, #tpu.memory_space<hbm>> -> memref<8x1024xf32, #tpu.memory_space<hbm>>
    %dma_start3A_10 = arith.constant 0 : i32
    %dma_start3A_11 = tpu.memref_slice %arg2[%add3A_8, %dma_start3A_10] : memref<12800x1024xf32, #tpu.memory_space<hbm>> -> memref<8x1024xf32, #tpu.memory_space<hbm>>
    tpu.enqueue_dma source(%dma_start3A_11 : memref<8x1024xf32, #tpu.memory_space<hbm>>) target(%arg4 : memref<8x1024xf32, #tpu.memory_space<vmem>>) target_semaphore(%arg8 : memref<!tpu.dma_semaphore, #tpu.memory_space<semaphore_mem>>)
    %add3A_12 = arith.constant 8 : i32
    %add3A_13 = arith.addi %add3A_4, %add3A_12 : i32
    %dma_start3A_14 = arith.constant 0 : i32
    %dma_start3A_15 = tpu.memref_slice %arg2[%add3A_13, %dma_start3A_14] : memref<12800x1024xf32, #tpu.memory_space<hbm>> -> memref<8x1024xf32, #tpu.memory_space<hbm>>
    %dma_start3A_16 = arith.constant 0 : i32
    %dma_start3A_17 = tpu.memref_slice %arg2[%add3A_13, %dma_start3A_16] : memref<12800x1024xf32, #tpu.memory_space<hbm>> -> memref<8x1024xf32, #tpu.memory_space<hbm>>
    tpu.enqueue_dma source(%dma_start3A_17 : memref<8x1024xf32, #tpu.memory_space<hbm>>) target(%arg5 : memref<8x1024xf32, #tpu.memory_space<vmem>>) target_semaphore(%arg9 : memref<!tpu.dma_semaphore, #tpu.memory_space<semaphore_mem>>)
    %add3A_18 = arith.constant 16 : i32
    %add3A_19 = arith.addi %add3A_4, %add3A_18 : i32
    %dma_start3A_20 = arith.constant 0 : i32
    %dma_start3A_21 = tpu.memref_slice %arg2[%add3A_19, %dma_start3A_20] : memref<12800x1024xf32, #tpu.memory_space<hbm>> -> memref<8x1024xf32, #tpu.memory_space<hbm>>
    %dma_start3A_22 = arith.constant 0 : i32
    %dma_start3A_23 = tpu.memref_slice %arg2[%add3A_19, %dma_start3A_22] : memref<12800x1024xf32, #tpu.memory_space<hbm>> -> memref<8x1024xf32, #tpu.memory_space<hbm>>
    tpu.enqueue_dma source(%dma_start3A_23 : memref<8x1024xf32, #tpu.memory_space<hbm>>) target(%arg6 : memref<8x1024xf32, #tpu.memory_space<vmem>>) target_semaphore(%arg10 : memref<!tpu.dma_semaphore, #tpu.memory_space<semaphore_mem>>)
    %dma_wait3A = arith.constant 0 : i32
    %dma_wait3A_24 = tpu.memref_slice %arg2[%add3A_8, %dma_wait3A] : memref<12800x1024xf32, #tpu.memory_space<hbm>> -> memref<8x1024xf32, #tpu.memory_space<hbm>>
    %dma_wait3A_25 = arith.constant 0 : i32
    %dma_wait3A_26 = tpu.memref_slice %arg2[%add3A_8, %dma_wait3A_25] : memref<12800x1024xf32, #tpu.memory_space<hbm>> -> memref<8x1024xf32, #tpu.memory_space<hbm>>
    tpu.wait_dma2 semaphore(%arg8 : memref<!tpu.dma_semaphore, #tpu.memory_space<semaphore_mem>>) src(%dma_wait3A_26 : memref<8x1024xf32, #tpu.memory_space<hbm>>) dst(%arg4 : memref<8x1024xf32, #tpu.memory_space<vmem>>)
    %add3A_27 = arith.constant 0 : i32
    %add3A_28 = arith.addi %mul3A_6, %add3A_27 : i32
    %dma_start3A_29 = arith.constant 0 : i32
    %dma_start3A_30 = tpu.memref_slice %arg3[%add3A_28, %dma_start3A_29] : memref<6400x1024xf32, #tpu.memory_space<hbm>> -> memref<8x1024xf32, #tpu.memory_space<hbm>>
    %dma_start3A_31 = arith.constant 0 : i32
    %dma_start3A_32 = tpu.memref_slice %arg3[%add3A_28, %dma_start3A_31] : memref<6400x1024xf32, #tpu.memory_space<hbm>> -> memref<8x1024xf32, #tpu.memory_space<hbm>>
    tpu.enqueue_dma source(%arg4 : memref<8x1024xf32, #tpu.memory_space<vmem>>) target(%dma_start3A_32 : memref<8x1024xf32, #tpu.memory_space<hbm>>) target_semaphore(%arg12 : memref<!tpu.dma_semaphore, #tpu.memory_space<semaphore_mem>>)
    %add3A_33 = arith.constant 24 : i32
    %add3A_34 = arith.addi %add3A_4, %add3A_33 : i32
    %dma_start3A_35 = arith.constant 0 : i32
    %dma_start3A_36 = tpu.memref_slice %arg2[%add3A_34, %dma_start3A_35] : memref<12800x1024xf32, #tpu.memory_space<hbm>> -> memref<8x1024xf32, #tpu.memory_space<hbm>>
    %dma_start3A_37 = arith.constant 0 : i32
    %dma_start3A_38 = tpu.memref_slice %arg2[%add3A_34, %dma_start3A_37] : memref<12800x1024xf32, #tpu.memory_space<hbm>> -> memref<8x1024xf32, #tpu.memory_space<hbm>>
    tpu.enqueue_dma source(%dma_start3A_38 : memref<8x1024xf32, #tpu.memory_space<hbm>>) target(%arg7 : memref<8x1024xf32, #tpu.memory_space<vmem>>) target_semaphore(%arg11 : memref<!tpu.dma_semaphore, #tpu.memory_space<semaphore_mem>>)
    %dma_wait3A_39 = arith.constant 0 : i32
    %dma_wait3A_40 = tpu.memref_slice %arg2[%add3A_13, %dma_wait3A_39] : memref<12800x1024xf32, #tpu.memory_space<hbm>> -> memref<8x1024xf32, #tpu.memory_space<hbm>>
    %dma_wait3A_41 = arith.constant 0 : i32
    %dma_wait3A_42 = tpu.memref_slice %arg2[%add3A_13, %dma_wait3A_41] : memref<12800x1024xf32, #tpu.memory_space<hbm>> -> memref<8x1024xf32, #tpu.memory_space<hbm>>
    tpu.wait_dma2 semaphore(%arg9 : memref<!tpu.dma_semaphore, #tpu.memory_space<semaphore_mem>>) src(%dma_wait3A_42 : memref<8x1024xf32, #tpu.memory_space<hbm>>) dst(%arg5 : memref<8x1024xf32, #tpu.memory_space<vmem>>)
    %add3A_43 = arith.constant 8 : i32
    %add3A_44 = arith.addi %mul3A_6, %add3A_43 : i32
    %dma_start3A_45 = arith.constant 0 : i32
    %dma_start3A_46 = tpu.memref_slice %arg3[%add3A_44, %dma_start3A_45] : memref<6400x1024xf32, #tpu.memory_space<hbm>> -> memref<8x1024xf32, #tpu.memory_space<hbm>>
    %dma_start3A_47 = arith.constant 0 : i32
    %dma_start3A_48 = tpu.memref_slice %arg3[%add3A_44, %dma_start3A_47] : memref<6400x1024xf32, #tpu.memory_space<hbm>> -> memref<8x1024xf32, #tpu.memory_space<hbm>>
    tpu.enqueue_dma source(%arg5 : memref<8x1024xf32, #tpu.memory_space<vmem>>) target(%dma_start3A_48 : memref<8x1024xf32, #tpu.memory_space<hbm>>) target_semaphore(%arg13 : memref<!tpu.dma_semaphore, #tpu.memory_space<semaphore_mem>>)
    %dma_wait3A_49 = arith.constant 0 : i32
    %dma_wait3A_50 = tpu.memref_slice %arg3[%add3A_28, %dma_wait3A_49] : memref<6400x1024xf32, #tpu.memory_space<hbm>> -> memref<8x1024xf32, #tpu.memory_space<hbm>>
    %dma_wait3A_51 = arith.constant 0 : i32
    %dma_wait3A_52 = tpu.memref_slice %arg3[%add3A_28, %dma_wait3A_51] : memref<6400x1024xf32, #tpu.memory_space<hbm>> -> memref<8x1024xf32, #tpu.memory_space<hbm>>
    tpu.wait_dma2 semaphore(%arg12 : memref<!tpu.dma_semaphore, #tpu.memory_space<semaphore_mem>>) src(%arg4 : memref<8x1024xf32, #tpu.memory_space<vmem>>) dst(%dma_wait3A_52 : memref<8x1024xf32, #tpu.memory_space<hbm>>)
    %add3A_53 = arith.constant 32 : i32
    %add3A_54 = arith.addi %add3A_4, %add3A_53 : i32
    %dma_start3A_55 = arith.constant 0 : i32
    %dma_start3A_56 = tpu.memref_slice %arg2[%add3A_54, %dma_start3A_55] : memref<12800x1024xf32, #tpu.memory_space<hbm>> -> memref<8x1024xf32, #tpu.memory_space<hbm>>
    %dma_start3A_57 = arith.constant 0 : i32
    %dma_start3A_58 = tpu.memref_slice %arg2[%add3A_54, %dma_start3A_57] : memref<12800x1024xf32, #tpu.memory_space<hbm>> -> memref<8x1024xf32, #tpu.memory_space<hbm>>
    tpu.enqueue_dma source(%dma_start3A_58 : memref<8x1024xf32, #tpu.memory_space<hbm>>) target(%arg4 : memref<8x1024xf32, #tpu.memory_space<vmem>>) target_semaphore(%arg8 : memref<!tpu.dma_semaphore, #tpu.memory_space<semaphore_mem>>)
    %dma_wait3A_59 = arith.constant 0 : i32
    %dma_wait3A_60 = tpu.memref_slice %arg2[%add3A_19, %dma_wait3A_59] : memref<12800x1024xf32, #tpu.memory_space<hbm>> -> memref<8x1024xf32, #tpu.memory_space<hbm>>
    %dma_wait3A_61 = arith.constant 0 : i32
    %dma_wait3A_62 = tpu.memref_slice %arg2[%add3A_19, %dma_wait3A_61] : memref<12800x1024xf32, #tpu.memory_space<hbm>> -> memref<8x1024xf32, #tpu.memory_space<hbm>>
    tpu.wait_dma2 semaphore(%arg10 : memref<!tpu.dma_semaphore, #tpu.memory_space<semaphore_mem>>) src(%dma_wait3A_62 : memref<8x1024xf32, #tpu.memory_space<hbm>>) dst(%arg6 : memref<8x1024xf32, #tpu.memory_space<vmem>>)
    %add3A_63 = arith.constant 16 : i32
    %add3A_64 = arith.addi %mul3A_6, %add3A_63 : i32
    %dma_start3A_65 = arith.constant 0 : i32
    %dma_start3A_66 = tpu.memref_slice %arg3[%add3A_64, %dma_start3A_65] : memref<6400x1024xf32, #tpu.memory_space<hbm>> -> memref<8x1024xf32, #tpu.memory_space<hbm>>
    %dma_start3A_67 = arith.constant 0 : i32
    %dma_start3A_68 = tpu.memref_slice %arg3[%add3A_64, %dma_start3A_67] : memref<6400x1024xf32, #tpu.memory_space<hbm>> -> memref<8x1024xf32, #tpu.memory_space<hbm>>
    tpu.enqueue_dma source(%arg6 : memref<8x1024xf32, #tpu.memory_space<vmem>>) target(%dma_start3A_68 : memref<8x1024xf32, #tpu.memory_space<hbm>>) target_semaphore(%arg14 : memref<!tpu.dma_semaphore, #tpu.memory_space<semaphore_mem>>)
    %dma_wait3A_69 = arith.constant 0 : i32
    %dma_wait3A_70 = tpu.memref_slice %arg3[%add3A_44, %dma_wait3A_69] : memref<6400x1024xf32, #tpu.memory_space<hbm>> -> memref<8x1024xf32, #tpu.memory_space<hbm>>
    %dma_wait3A_71 = arith.constant 0 : i32
    %dma_wait3A_72 = tpu.memref_slice %arg3[%add3A_44, %dma_wait3A_71] : memref<6400x1024xf32, #tpu.memory_space<hbm>> -> memref<8x1024xf32, #tpu.memory_space<hbm>>
    tpu.wait_dma2 semaphore(%arg13 : memref<!tpu.dma_semaphore, #tpu.memory_space<semaphore_mem>>) src(%arg5 : memref<8x1024xf32, #tpu.memory_space<vmem>>) dst(%dma_wait3A_72 : memref<8x1024xf32, #tpu.memory_space<hbm>>)
    %add3A_73 = arith.constant 40 : i32
    %add3A_74 = arith.addi %add3A_4, %add3A_73 : i32
    %dma_start3A_75 = arith.constant 0 : i32
    %dma_start3A_76 = tpu.memref_slice %arg2[%add3A_74, %dma_start3A_75] : memref<12800x1024xf32, #tpu.memory_space<hbm>> -> memref<8x1024xf32, #tpu.memory_space<hbm>>
    %dma_start3A_77 = arith.constant 0 : i32
    %dma_start3A_78 = tpu.memref_slice %arg2[%add3A_74, %dma_start3A_77] : memref<12800x1024xf32, #tpu.memory_space<hbm>> -> memref<8x1024xf32, #tpu.memory_space<hbm>>
    tpu.enqueue_dma source(%dma_start3A_78 : memref<8x1024xf32, #tpu.memory_space<hbm>>) target(%arg5 : memref<8x1024xf32, #tpu.memory_space<vmem>>) target_semaphore(%arg9 : memref<!tpu.dma_semaphore, #tpu.memory_space<semaphore_mem>>)
    %dma_wait3A_79 = arith.constant 0 : i32
    %dma_wait3A_80 = tpu.memref_slice %arg2[%add3A_34, %dma_wait3A_79] : memref<12800x1024xf32, #tpu.memory_space<hbm>> -> memref<8x1024xf32, #tpu.memory_space<hbm>>
    %dma_wait3A_81 = arith.constant 0 : i32
    %dma_wait3A_82 = tpu.memref_slice %arg2[%add3A_34, %dma_wait3A_81] : memref<12800x1024xf32, #tpu.memory_space<hbm>> -> memref<8x1024xf32, #tpu.memory_space<hbm>>
    tpu.wait_dma2 semaphore(%arg11 : memref<!tpu.dma_semaphore, #tpu.memory_space<semaphore_mem>>) src(%dma_wait3A_82 : memref<8x1024xf32, #tpu.memory_space<hbm>>) dst(%arg7 : memref<8x1024xf32, #tpu.memory_space<vmem>>)
    %add3A_83 = arith.constant 24 : i32
    %add3A_84 = arith.addi %mul3A_6, %add3A_83 : i32
    %dma_start3A_85 = arith.constant 0 : i32
    %dma_start3A_86 = tpu.memref_slice %arg3[%add3A_84, %dma_start3A_85] : memref<6400x1024xf32, #tpu.memory_space<hbm>> -> memref<8x1024xf32, #tpu.memory_space<hbm>>
    %dma_start3A_87 = arith.constant 0 : i32
    %dma_start3A_88 = tpu.memref_slice %arg3[%add3A_84, %dma_start3A_87] : memref<6400x1024xf32, #tpu.memory_space<hbm>> -> memref<8x1024xf32, #tpu.memory_space<hbm>>
    tpu.enqueue_dma source(%arg7 : memref<8x1024xf32, #tpu.memory_space<vmem>>) target(%dma_start3A_88 : memref<8x1024xf32, #tpu.memory_space<hbm>>) target_semaphore(%arg15 : memref<!tpu.dma_semaphore, #tpu.memory_space<semaphore_mem>>)
    %dma_wait3A_89 = arith.constant 0 : i32
    %dma_wait3A_90 = tpu.memref_slice %arg3[%add3A_64, %dma_wait3A_89] : memref<6400x1024xf32, #tpu.memory_space<hbm>> -> memref<8x1024xf32, #tpu.memory_space<hbm>>
    %dma_wait3A_91 = arith.constant 0 : i32
    %dma_wait3A_92 = tpu.memref_slice %arg3[%add3A_64, %dma_wait3A_91] : memref<6400x1024xf32, #tpu.memory_space<hbm>> -> memref<8x1024xf32, #tpu.memory_space<hbm>>
    tpu.wait_dma2 semaphore(%arg14 : memref<!tpu.dma_semaphore, #tpu.memory_space<semaphore_mem>>) src(%arg6 : memref<8x1024xf32, #tpu.memory_space<vmem>>) dst(%dma_wait3A_92 : memref<8x1024xf32, #tpu.memory_space<hbm>>)
    %add3A_93 = arith.constant 48 : i32
    %add3A_94 = arith.addi %add3A_4, %add3A_93 : i32
    %dma_start3A_95 = arith.constant 0 : i32
    %dma_start3A_96 = tpu.memref_slice %arg2[%add3A_94, %dma_start3A_95] : memref<12800x1024xf32, #tpu.memory_space<hbm>> -> memref<8x1024xf32, #tpu.memory_space<hbm>>
    %dma_start3A_97 = arith.constant 0 : i32
    %dma_start3A_98 = tpu.memref_slice %arg2[%add3A_94, %dma_start3A_97] : memref<12800x1024xf32, #tpu.memory_space<hbm>> -> memref<8x1024xf32, #tpu.memory_space<hbm>>
    tpu.enqueue_dma source(%dma_start3A_98 : memref<8x1024xf32, #tpu.memory_space<hbm>>) target(%arg6 : memref<8x1024xf32, #tpu.memory_space<vmem>>) target_semaphore(%arg10 : memref<!tpu.dma_semaphore, #tpu.memory_space<semaphore_mem>>)
    %dma_wait3A_99 = arith.constant 0 : i32
    %dma_wait3A_100 = tpu.memref_slice %arg2[%add3A_54, %dma_wait3A_99] : memref<12800x1024xf32, #tpu.memory_space<hbm>> -> memref<8x1024xf32, #tpu.memory_space<hbm>>
    %dma_wait3A_101 = arith.constant 0 : i32
    %dma_wait3A_102 = tpu.memref_slice %arg2[%add3A_54, %dma_wait3A_101] : memref<12800x1024xf32, #tpu.memory_space<hbm>> -> memref<8x1024xf32, #tpu.memory_space<hbm>>
    tpu.wait_dma2 semaphore(%arg8 : memref<!tpu.dma_semaphore, #tpu.memory_space<semaphore_mem>>) src(%dma_wait3A_102 : memref<8x1024xf32, #tpu.memory_space<hbm>>) dst(%arg4 : memref<8x1024xf32, #tpu.memory_space<vmem>>)
    %add3A_103 = arith.constant 32 : i32
    %add3A_104 = arith.addi %mul3A_6, %add3A_103 : i32
    %dma_start3A_105 = arith.constant 0 : i32
    %dma_start3A_106 = tpu.memref_slice %arg3[%add3A_104, %dma_start3A_105] : memref<6400x1024xf32, #tpu.memory_space<hbm>> -> memref<8x1024xf32, #tpu.memory_space<hbm>>
    %dma_start3A_107 = arith.constant 0 : i32
    %dma_start3A_108 = tpu.memref_slice %arg3[%add3A_104, %dma_start3A_107] : memref<6400x1024xf32, #tpu.memory_space<hbm>> -> memref<8x1024xf32, #tpu.memory_space<hbm>>
    tpu.enqueue_dma source(%arg4 : memref<8x1024xf32, #tpu.memory_space<vmem>>) target(%dma_start3A_108 : memref<8x1024xf32, #tpu.memory_space<hbm>>) target_semaphore(%arg12 : memref<!tpu.dma_semaphore, #tpu.memory_space<semaphore_mem>>)
    %dma_wait3A_109 = arith.constant 0 : i32
    %dma_wait3A_110 = tpu.memref_slice %arg3[%add3A_84, %dma_wait3A_109] : memref<6400x1024xf32, #tpu.memory_space<hbm>> -> memref<8x1024xf32, #tpu.memory_space<hbm>>
    %dma_wait3A_111 = arith.constant 0 : i32
    %dma_wait3A_112 = tpu.memref_slice %arg3[%add3A_84, %dma_wait3A_111] : memref<6400x1024xf32, #tpu.memory_space<hbm>> -> memref<8x1024xf32, #tpu.memory_space<hbm>>
    tpu.wait_dma2 semaphore(%arg15 : memref<!tpu.dma_semaphore, #tpu.memory_space<semaphore_mem>>) src(%arg7 : memref<8x1024xf32, #tpu.memory_space<vmem>>) dst(%dma_wait3A_112 : memref<8x1024xf32, #tpu.memory_space<hbm>>)
    %add3A_113 = arith.constant 56 : i32
    %add3A_114 = arith.addi %add3A_4, %add3A_113 : i32
    %dma_start3A_115 = arith.constant 0 : i32
    %dma_start3A_116 = tpu.memref_slice %arg2[%add3A_114, %dma_start3A_115] : memref<12800x1024xf32, #tpu.memory_space<hbm>> -> memref<8x1024xf32, #tpu.memory_space<hbm>>
    %dma_start3A_117 = arith.constant 0 : i32
    %dma_start3A_118 = tpu.memref_slice %arg2[%add3A_114, %dma_start3A_117] : memref<12800x1024xf32, #tpu.memory_space<hbm>> -> memref<8x1024xf32, #tpu.memory_space<hbm>>
    tpu.enqueue_dma source(%dma_start3A_118 : memref<8x1024xf32, #tpu.memory_space<hbm>>) target(%arg7 : memref<8x1024xf32, #tpu.memory_space<vmem>>) target_semaphore(%arg11 : memref<!tpu.dma_semaphore, #tpu.memory_space<semaphore_mem>>)
    %dma_wait3A_119 = arith.constant 0 : i32
    %dma_wait3A_120 = tpu.memref_slice %arg2[%add3A_74, %dma_wait3A_119] : memref<12800x1024xf32, #tpu.memory_space<hbm>> -> memref<8x1024xf32, #tpu.memory_space<hbm>>
    %dma_wait3A_121 = arith.constant 0 : i32
    %dma_wait3A_122 = tpu.memref_slice %arg2[%add3A_74, %dma_wait3A_121] : memref<12800x1024xf32, #tpu.memory_space<hbm>> -> memref<8x1024xf32, #tpu.memory_space<hbm>>
    tpu.wait_dma2 semaphore(%arg9 : memref<!tpu.dma_semaphore, #tpu.memory_space<semaphore_mem>>) src(%dma_wait3A_122 : memref<8x1024xf32, #tpu.memory_space<hbm>>) dst(%arg5 : memref<8x1024xf32, #tpu.memory_space<vmem>>)
    %add3A_123 = arith.constant 40 : i32
    %add3A_124 = arith.addi %mul3A_6, %add3A_123 : i32
    %dma_start3A_125 = arith.constant 0 : i32
    %dma_start3A_126 = tpu.memref_slice %arg3[%add3A_124, %dma_start3A_125] : memref<6400x1024xf32, #tpu.memory_space<hbm>> -> memref<8x1024xf32, #tpu.memory_space<hbm>>
    %dma_start3A_127 = arith.constant 0 : i32
    %dma_start3A_128 = tpu.memref_slice %arg3[%add3A_124, %dma_start3A_127] : memref<6400x1024xf32, #tpu.memory_space<hbm>> -> memref<8x1024xf32, #tpu.memory_space<hbm>>
    tpu.enqueue_dma source(%arg5 : memref<8x1024xf32, #tpu.memory_space<vmem>>) target(%dma_start3A_128 : memref<8x1024xf32, #tpu.memory_space<hbm>>) target_semaphore(%arg13 : memref<!tpu.dma_semaphore, #tpu.memory_space<semaphore_mem>>)
    %dma_wait3A_129 = arith.constant 0 : i32
    %dma_wait3A_130 = tpu.memref_slice %arg3[%add3A_104, %dma_wait3A_129] : memref<6400x1024xf32, #tpu.memory_space<hbm>> -> memref<8x1024xf32, #tpu.memory_space<hbm>>
    %dma_wait3A_131 = arith.constant 0 : i32
    %dma_wait3A_132 = tpu.memref_slice %arg3[%add3A_104, %dma_wait3A_131] : memref<6400x1024xf32, #tpu.memory_space<hbm>> -> memref<8x1024xf32, #tpu.memory_space<hbm>>
    tpu.wait_dma2 semaphore(%arg12 : memref<!tpu.dma_semaphore, #tpu.memory_space<semaphore_mem>>) src(%arg4 : memref<8x1024xf32, #tpu.memory_space<vmem>>) dst(%dma_wait3A_132 : memref<8x1024xf32, #tpu.memory_space<hbm>>)
    %add3A_133 = arith.constant 64 : i32
    %add3A_134 = arith.addi %add3A_4, %add3A_133 : i32
    %dma_start3A_135 = arith.constant 0 : i32
    %dma_start3A_136 = tpu.memref_slice %arg2[%add3A_134, %dma_start3A_135] : memref<12800x1024xf32, #tpu.memory_space<hbm>> -> memref<8x1024xf32, #tpu.memory_space<hbm>>
    %dma_start3A_137 = arith.constant 0 : i32
    %dma_start3A_138 = tpu.memref_slice %arg2[%add3A_134, %dma_start3A_137] : memref<12800x1024xf32, #tpu.memory_space<hbm>> -> memref<8x1024xf32, #tpu.memory_space<hbm>>
    tpu.enqueue_dma source(%dma_start3A_138 : memref<8x1024xf32, #tpu.memory_space<hbm>>) target(%arg4 : memref<8x1024xf32, #tpu.memory_space<vmem>>) target_semaphore(%arg8 : memref<!tpu.dma_semaphore, #tpu.memory_space<semaphore_mem>>)
    %dma_wait3A_139 = arith.constant 0 : i32
    %dma_wait3A_140 = tpu.memref_slice %arg2[%add3A_94, %dma_wait3A_139] : memref<12800x1024xf32, #tpu.memory_space<hbm>> -> memref<8x1024xf32, #tpu.memory_space<hbm>>
    %dma_wait3A_141 = arith.constant 0 : i32
    %dma_wait3A_142 = tpu.memref_slice %arg2[%add3A_94, %dma_wait3A_141] : memref<12800x1024xf32, #tpu.memory_space<hbm>> -> memref<8x1024xf32, #tpu.memory_space<hbm>>
    tpu.wait_dma2 semaphore(%arg10 : memref<!tpu.dma_semaphore, #tpu.memory_space<semaphore_mem>>) src(%dma_wait3A_142 : memref<8x1024xf32, #tpu.memory_space<hbm>>) dst(%arg6 : memref<8x1024xf32, #tpu.memory_space<vmem>>)
    %add3A_143 = arith.constant 48 : i32
    %add3A_144 = arith.addi %mul3A_6, %add3A_143 : i32
    %dma_start3A_145 = arith.constant 0 : i32
    %dma_start3A_146 = tpu.memref_slice %arg3[%add3A_144, %dma_start3A_145] : memref<6400x1024xf32, #tpu.memory_space<hbm>> -> memref<8x1024xf32, #tpu.memory_space<hbm>>
    %dma_start3A_147 = arith.constant 0 : i32
    %dma_start3A_148 = tpu.memref_slice %arg3[%add3A_144, %dma_start3A_147] : memref<6400x1024xf32, #tpu.memory_space<hbm>> -> memref<8x1024xf32, #tpu.memory_space<hbm>>
    tpu.enqueue_dma source(%arg6 : memref<8x1024xf32, #tpu.memory_space<vmem>>) target(%dma_start3A_148 : memref<8x1024xf32, #tpu.memory_space<hbm>>) target_semaphore(%arg14 : memref<!tpu.dma_semaphore, #tpu.memory_space<semaphore_mem>>)
    %dma_wait3A_149 = arith.constant 0 : i32
    %dma_wait3A_150 = tpu.memref_slice %arg3[%add3A_124, %dma_wait3A_149] : memref<6400x1024xf32, #tpu.memory_space<hbm>> -> memref<8x1024xf32, #tpu.memory_space<hbm>>
    %dma_wait3A_151 = arith.constant 0 : i32
    %dma_wait3A_152 = tpu.memref_slice %arg3[%add3A_124, %dma_wait3A_151] : memref<6400x1024xf32, #tpu.memory_space<hbm>> -> memref<8x1024xf32, #tpu.memory_space<hbm>>
    tpu.wait_dma2 semaphore(%arg13 : memref<!tpu.dma_semaphore, #tpu.memory_space<semaphore_mem>>) src(%arg5 : memref<8x1024xf32, #tpu.memory_space<vmem>>) dst(%dma_wait3A_152 : memref<8x1024xf32, #tpu.memory_space<hbm>>)
    %add3A_153 = arith.constant 72 : i32
    %add3A_154 = arith.addi %add3A_4, %add3A_153 : i32
    %dma_start3A_155 = arith.constant 0 : i32
    %dma_start3A_156 = tpu.memref_slice %arg2[%add3A_154, %dma_start3A_155] : memref<12800x1024xf32, #tpu.memory_space<hbm>> -> memref<8x1024xf32, #tpu.memory_space<hbm>>
    %dma_start3A_157 = arith.constant 0 : i32
    %dma_start3A_158 = tpu.memref_slice %arg2[%add3A_154, %dma_start3A_157] : memref<12800x1024xf32, #tpu.memory_space<hbm>> -> memref<8x1024xf32, #tpu.memory_space<hbm>>
    tpu.enqueue_dma source(%dma_start3A_158 : memref<8x1024xf32, #tpu.memory_space<hbm>>) target(%arg5 : memref<8x1024xf32, #tpu.memory_space<vmem>>) target_semaphore(%arg9 : memref<!tpu.dma_semaphore, #tpu.memory_space<semaphore_mem>>)
    %dma_wait3A_159 = arith.constant 0 : i32
    %dma_wait3A_160 = tpu.memref_slice %arg2[%add3A_114, %dma_wait3A_159] : memref<12800x1024xf32, #tpu.memory_space<hbm>> -> memref<8x1024xf32, #tpu.memory_space<hbm>>
    %dma_wait3A_161 = arith.constant 0 : i32
    %dma_wait3A_162 = tpu.memref_slice %arg2[%add3A_114, %dma_wait3A_161] : memref<12800x1024xf32, #tpu.memory_space<hbm>> -> memref<8x1024xf32, #tpu.memory_space<hbm>>
    tpu.wait_dma2 semaphore(%arg11 : memref<!tpu.dma_semaphore, #tpu.memory_space<semaphore_mem>>) src(%dma_wait3A_162 : memref<8x1024xf32, #tpu.memory_space<hbm>>) dst(%arg7 : memref<8x1024xf32, #tpu.memory_space<vmem>>)
    %add3A_163 = arith.constant 56 : i32
    %add3A_164 = arith.addi %mul3A_6, %add3A_163 : i32
    %dma_start3A_165 = arith.constant 0 : i32
    %dma_start3A_166 = tpu.memref_slice %arg3[%add3A_164, %dma_start3A_165] : memref<6400x1024xf32, #tpu.memory_space<hbm>> -> memref<8x1024xf32, #tpu.memory_space<hbm>>
    %dma_start3A_167 = arith.constant 0 : i32
    %dma_start3A_168 = tpu.memref_slice %arg3[%add3A_164, %dma_start3A_167] : memref<6400x1024xf32, #tpu.memory_space<hbm>> -> memref<8x1024xf32, #tpu.memory_space<hbm>>
    tpu.enqueue_dma source(%arg7 : memref<8x1024xf32, #tpu.memory_space<vmem>>) target(%dma_start3A_168 : memref<8x1024xf32, #tpu.memory_space<hbm>>) target_semaphore(%arg15 : memref<!tpu.dma_semaphore, #tpu.memory_space<semaphore_mem>>)
    %dma_wait3A_169 = arith.constant 0 : i32
    %dma_wait3A_170 = tpu.memref_slice %arg3[%add3A_144, %dma_wait3A_169] : memref<6400x1024xf32, #tpu.memory_space<hbm>> -> memref<8x1024xf32, #tpu.memory_space<hbm>>
    %dma_wait3A_171 = arith.constant 0 : i32
    %dma_wait3A_172 = tpu.memref_slice %arg3[%add3A_144, %dma_wait3A_171] : memref<6400x1024xf32, #tpu.memory_space<hbm>> -> memref<8x1024xf32, #tpu.memory_space<hbm>>
    tpu.wait_dma2 semaphore(%arg14 : memref<!tpu.dma_semaphore, #tpu.memory_space<semaphore_mem>>) src(%arg6 : memref<8x1024xf32, #tpu.memory_space<vmem>>) dst(%dma_wait3A_172 : memref<8x1024xf32, #tpu.memory_space<hbm>>)
    %add3A_173 = arith.constant 80 : i32
    %add3A_174 = arith.addi %add3A_4, %add3A_173 : i32
    %dma_start3A_175 = arith.constant 0 : i32
    %dma_start3A_176 = tpu.memref_slice %arg2[%add3A_174, %dma_start3A_175] : memref<12800x1024xf32, #tpu.memory_space<hbm>> -> memref<8x1024xf32, #tpu.memory_space<hbm>>
    %dma_start3A_177 = arith.constant 0 : i32
    %dma_start3A_178 = tpu.memref_slice %arg2[%add3A_174, %dma_start3A_177] : memref<12800x1024xf32, #tpu.memory_space<hbm>> -> memref<8x1024xf32, #tpu.memory_space<hbm>>
    tpu.enqueue_dma source(%dma_start3A_178 : memref<8x1024xf32, #tpu.memory_space<hbm>>) target(%arg6 : memref<8x1024xf32, #tpu.memory_space<vmem>>) target_semaphore(%arg10 : memref<!tpu.dma_semaphore, #tpu.memory_space<semaphore_mem>>)
    %dma_wait3A_179 = arith.constant 0 : i32
    %dma_wait3A_180 = tpu.memref_slice %arg2[%add3A_134, %dma_wait3A_179] : memref<12800x1024xf32, #tpu.memory_space<hbm>> -> memref<8x1024xf32, #tpu.memory_space<hbm>>
    %dma_wait3A_181 = arith.constant 0 : i32
    %dma_wait3A_182 = tpu.memref_slice %arg2[%add3A_134, %dma_wait3A_181] : memref<12800x1024xf32, #tpu.memory_space<hbm>> -> memref<8x1024xf32, #tpu.memory_space<hbm>>
    tpu.wait_dma2 semaphore(%arg8 : memref<!tpu.dma_semaphore, #tpu.memory_space<semaphore_mem>>) src(%dma_wait3A_182 : memref<8x1024xf32, #tpu.memory_space<hbm>>) dst(%arg4 : memref<8x1024xf32, #tpu.memory_space<vmem>>)
    %add3A_183 = arith.constant 64 : i32
    %add3A_184 = arith.addi %mul3A_6, %add3A_183 : i32
    %dma_start3A_185 = arith.constant 0 : i32
    %dma_start3A_186 = tpu.memref_slice %arg3[%add3A_184, %dma_start3A_185] : memref<6400x1024xf32, #tpu.memory_space<hbm>> -> memref<8x1024xf32, #tpu.memory_space<hbm>>
    %dma_start3A_187 = arith.constant 0 : i32
    %dma_start3A_188 = tpu.memref_slice %arg3[%add3A_184, %dma_start3A_187] : memref<6400x1024xf32, #tpu.memory_space<hbm>> -> memref<8x1024xf32, #tpu.memory_space<hbm>>
    tpu.enqueue_dma source(%arg4 : memref<8x1024xf32, #tpu.memory_space<vmem>>) target(%dma_start3A_188 : memref<8x1024xf32, #tpu.memory_space<hbm>>) target_semaphore(%arg12 : memref<!tpu.dma_semaphore, #tpu.memory_space<semaphore_mem>>)
    %dma_wait3A_189 = arith.constant 0 : i32
    %dma_wait3A_190 = tpu.memref_slice %arg3[%add3A_164, %dma_wait3A_189] : memref<6400x1024xf32, #tpu.memory_space<hbm>> -> memref<8x1024xf32, #tpu.memory_space<hbm>>
    %dma_wait3A_191 = arith.constant 0 : i32
    %dma_wait3A_192 = tpu.memref_slice %arg3[%add3A_164, %dma_wait3A_191] : memref<6400x1024xf32, #tpu.memory_space<hbm>> -> memref<8x1024xf32, #tpu.memory_space<hbm>>
    tpu.wait_dma2 semaphore(%arg15 : memref<!tpu.dma_semaphore, #tpu.memory_space<semaphore_mem>>) src(%arg7 : memref<8x1024xf32, #tpu.memory_space<vmem>>) dst(%dma_wait3A_192 : memref<8x1024xf32, #tpu.memory_space<hbm>>)
    %add3A_193 = arith.constant 88 : i32
    %add3A_194 = arith.addi %add3A_4, %add3A_193 : i32
    %dma_start3A_195 = arith.constant 0 : i32
    %dma_start3A_196 = tpu.memref_slice %arg2[%add3A_194, %dma_start3A_195] : memref<12800x1024xf32, #tpu.memory_space<hbm>> -> memref<8x1024xf32, #tpu.memory_space<hbm>>
    %dma_start3A_197 = arith.constant 0 : i32
    %dma_start3A_198 = tpu.memref_slice %arg2[%add3A_194, %dma_start3A_197] : memref<12800x1024xf32, #tpu.memory_space<hbm>> -> memref<8x1024xf32, #tpu.memory_space<hbm>>
    tpu.enqueue_dma source(%dma_start3A_198 : memref<8x1024xf32, #tpu.memory_space<hbm>>) target(%arg7 : memref<8x1024xf32, #tpu.memory_space<vmem>>) target_semaphore(%arg11 : memref<!tpu.dma_semaphore, #tpu.memory_space<semaphore_mem>>)
    %dma_wait3A_199 = arith.constant 0 : i32
    %dma_wait3A_200 = tpu.memref_slice %arg2[%add3A_154, %dma_wait3A_199] : memref<12800x1024xf32, #tpu.memory_space<hbm>> -> memref<8x1024xf32, #tpu.memory_space<hbm>>
    %dma_wait3A_201 = arith.constant 0 : i32
    %dma_wait3A_202 = tpu.memref_slice %arg2[%add3A_154, %dma_wait3A_201] : memref<12800x1024xf32, #tpu.memory_space<hbm>> -> memref<8x1024xf32, #tpu.memory_space<hbm>>
    tpu.wait_dma2 semaphore(%arg9 : memref<!tpu.dma_semaphore, #tpu.memory_space<semaphore_mem>>) src(%dma_wait3A_202 : memref<8x1024xf32, #tpu.memory_space<hbm>>) dst(%arg5 : memref<8x1024xf32, #tpu.memory_space<vmem>>)
    %add3A_203 = arith.constant 72 : i32
    %add3A_204 = arith.addi %mul3A_6, %add3A_203 : i32
    %dma_start3A_205 = arith.constant 0 : i32
    %dma_start3A_206 = tpu.memref_slice %arg3[%add3A_204, %dma_start3A_205] : memref<6400x1024xf32, #tpu.memory_space<hbm>> -> memref<8x1024xf32, #tpu.memory_space<hbm>>
    %dma_start3A_207 = arith.constant 0 : i32
    %dma_start3A_208 = tpu.memref_slice %arg3[%add3A_204, %dma_start3A_207] : memref<6400x1024xf32, #tpu.memory_space<hbm>> -> memref<8x1024xf32, #tpu.memory_space<hbm>>
    tpu.enqueue_dma source(%arg5 : memref<8x1024xf32, #tpu.memory_space<vmem>>) target(%dma_start3A_208 : memref<8x1024xf32, #tpu.memory_space<hbm>>) target_semaphore(%arg13 : memref<!tpu.dma_semaphore, #tpu.memory_space<semaphore_mem>>)
    %dma_wait3A_209 = arith.constant 0 : i32
    %dma_wait3A_210 = tpu.memref_slice %arg3[%add3A_184, %dma_wait3A_209] : memref<6400x1024xf32, #tpu.memory_space<hbm>> -> memref<8x1024xf32, #tpu.memory_space<hbm>>
    %dma_wait3A_211 = arith.constant 0 : i32
    %dma_wait3A_212 = tpu.memref_slice %arg3[%add3A_184, %dma_wait3A_211] : memref<6400x1024xf32, #tpu.memory_space<hbm>> -> memref<8x1024xf32, #tpu.memory_space<hbm>>
    tpu.wait_dma2 semaphore(%arg12 : memref<!tpu.dma_semaphore, #tpu.memory_space<semaphore_mem>>) src(%arg4 : memref<8x1024xf32, #tpu.memory_space<vmem>>) dst(%dma_wait3A_212 : memref<8x1024xf32, #tpu.memory_space<hbm>>)
    %add3A_213 = arith.constant 96 : i32
    %add3A_214 = arith.addi %add3A_4, %add3A_213 : i32
    %dma_start3A_215 = arith.constant 0 : i32
    %dma_start3A_216 = tpu.memref_slice %arg2[%add3A_214, %dma_start3A_215] : memref<12800x1024xf32, #tpu.memory_space<hbm>> -> memref<8x1024xf32, #tpu.memory_space<hbm>>
    %dma_start3A_217 = arith.constant 0 : i32
    %dma_start3A_218 = tpu.memref_slice %arg2[%add3A_214, %dma_start3A_217] : memref<12800x1024xf32, #tpu.memory_space<hbm>> -> memref<8x1024xf32, #tpu.memory_space<hbm>>
    tpu.enqueue_dma source(%dma_start3A_218 : memref<8x1024xf32, #tpu.memory_space<hbm>>) target(%arg4 : memref<8x1024xf32, #tpu.memory_space<vmem>>) target_semaphore(%arg8 : memref<!tpu.dma_semaphore, #tpu.memory_space<semaphore_mem>>)
    %dma_wait3A_219 = arith.constant 0 : i32
    %dma_wait3A_220 = tpu.memref_slice %arg2[%add3A_174, %dma_wait3A_219] : memref<12800x1024xf32, #tpu.memory_space<hbm>> -> memref<8x1024xf32, #tpu.memory_space<hbm>>
    %dma_wait3A_221 = arith.constant 0 : i32
    %dma_wait3A_222 = tpu.memref_slice %arg2[%add3A_174, %dma_wait3A_221] : memref<12800x1024xf32, #tpu.memory_space<hbm>> -> memref<8x1024xf32, #tpu.memory_space<hbm>>
    tpu.wait_dma2 semaphore(%arg10 : memref<!tpu.dma_semaphore, #tpu.memory_space<semaphore_mem>>) src(%dma_wait3A_222 : memref<8x1024xf32, #tpu.memory_space<hbm>>) dst(%arg6 : memref<8x1024xf32, #tpu.memory_space<vmem>>)
    %add3A_223 = arith.constant 80 : i32
    %add3A_224 = arith.addi %mul3A_6, %add3A_223 : i32
    %dma_start3A_225 = arith.constant 0 : i32
    %dma_start3A_226 = tpu.memref_slice %arg3[%add3A_224, %dma_start3A_225] : memref<6400x1024xf32, #tpu.memory_space<hbm>> -> memref<8x1024xf32, #tpu.memory_space<hbm>>
    %dma_start3A_227 = arith.constant 0 : i32
    %dma_start3A_228 = tpu.memref_slice %arg3[%add3A_224, %dma_start3A_227] : memref<6400x1024xf32, #tpu.memory_space<hbm>> -> memref<8x1024xf32, #tpu.memory_space<hbm>>
    tpu.enqueue_dma source(%arg6 : memref<8x1024xf32, #tpu.memory_space<vmem>>) target(%dma_start3A_228 : memref<8x1024xf32, #tpu.memory_space<hbm>>) target_semaphore(%arg14 : memref<!tpu.dma_semaphore, #tpu.memory_space<semaphore_mem>>)
    %dma_wait3A_229 = arith.constant 0 : i32
    %dma_wait3A_230 = tpu.memref_slice %arg3[%add3A_204, %dma_wait3A_229] : memref<6400x1024xf32, #tpu.memory_space<hbm>> -> memref<8x1024xf32, #tpu.memory_space<hbm>>
    %dma_wait3A_231 = arith.constant 0 : i32
    %dma_wait3A_232 = tpu.memref_slice %arg3[%add3A_204, %dma_wait3A_231] : memref<6400x1024xf32, #tpu.memory_space<hbm>> -> memref<8x1024xf32, #tpu.memory_space<hbm>>
    tpu.wait_dma2 semaphore(%arg13 : memref<!tpu.dma_semaphore, #tpu.memory_space<semaphore_mem>>) src(%arg5 : memref<8x1024xf32, #tpu.memory_space<vmem>>) dst(%dma_wait3A_232 : memref<8x1024xf32, #tpu.memory_space<hbm>>)
    %add3A_233 = arith.constant 104 : i32
    %add3A_234 = arith.addi %add3A_4, %add3A_233 : i32
    %dma_start3A_235 = arith.constant 0 : i32
    %dma_start3A_236 = tpu.memref_slice %arg2[%add3A_234, %dma_start3A_235] : memref<12800x1024xf32, #tpu.memory_space<hbm>> -> memref<8x1024xf32, #tpu.memory_space<hbm>>
    %dma_start3A_237 = arith.constant 0 : i32
    %dma_start3A_238 = tpu.memref_slice %arg2[%add3A_234, %dma_start3A_237] : memref<12800x1024xf32, #tpu.memory_space<hbm>> -> memref<8x1024xf32, #tpu.memory_space<hbm>>
    tpu.enqueue_dma source(%dma_start3A_238 : memref<8x1024xf32, #tpu.memory_space<hbm>>) target(%arg5 : memref<8x1024xf32, #tpu.memory_space<vmem>>) target_semaphore(%arg9 : memref<!tpu.dma_semaphore, #tpu.memory_space<semaphore_mem>>)
    %dma_wait3A_239 = arith.constant 0 : i32
    %dma_wait3A_240 = tpu.memref_slice %arg2[%add3A_194, %dma_wait3A_239] : memref<12800x1024xf32, #tpu.memory_space<hbm>> -> memref<8x1024xf32, #tpu.memory_space<hbm>>
    %dma_wait3A_241 = arith.constant 0 : i32
    %dma_wait3A_242 = tpu.memref_slice %arg2[%add3A_194, %dma_wait3A_241] : memref<12800x1024xf32, #tpu.memory_space<hbm>> -> memref<8x1024xf32, #tpu.memory_space<hbm>>
    tpu.wait_dma2 semaphore(%arg11 : memref<!tpu.dma_semaphore, #tpu.memory_space<semaphore_mem>>) src(%dma_wait3A_242 : memref<8x1024xf32, #tpu.memory_space<hbm>>) dst(%arg7 : memref<8x1024xf32, #tpu.memory_space<vmem>>)
    %add3A_243 = arith.constant 88 : i32
    %add3A_244 = arith.addi %mul3A_6, %add3A_243 : i32
    %dma_start3A_245 = arith.constant 0 : i32
    %dma_start3A_246 = tpu.memref_slice %arg3[%add3A_244, %dma_start3A_245] : memref<6400x1024xf32, #tpu.memory_space<hbm>> -> memref<8x1024xf32, #tpu.memory_space<hbm>>
    %dma_start3A_247 = arith.constant 0 : i32
    %dma_start3A_248 = tpu.memref_slice %arg3[%add3A_244, %dma_start3A_247] : memref<6400x1024xf32, #tpu.memory_space<hbm>> -> memref<8x1024xf32, #tpu.memory_space<hbm>>
    tpu.enqueue_dma source(%arg7 : memref<8x1024xf32, #tpu.memory_space<vmem>>) target(%dma_start3A_248 : memref<8x1024xf32, #tpu.memory_space<hbm>>) target_semaphore(%arg15 : memref<!tpu.dma_semaphore, #tpu.memory_space<semaphore_mem>>)
    %dma_wait3A_249 = arith.constant 0 : i32
    %dma_wait3A_250 = tpu.memref_slice %arg3[%add3A_224, %dma_wait3A_249] : memref<6400x1024xf32, #tpu.memory_space<hbm>> -> memref<8x1024xf32, #tpu.memory_space<hbm>>
    %dma_wait3A_251 = arith.constant 0 : i32
    %dma_wait3A_252 = tpu.memref_slice %arg3[%add3A_224, %dma_wait3A_251] : memref<6400x1024xf32, #tpu.memory_space<hbm>> -> memref<8x1024xf32, #tpu.memory_space<hbm>>
    tpu.wait_dma2 semaphore(%arg14 : memref<!tpu.dma_semaphore, #tpu.memory_space<semaphore_mem>>) src(%arg6 : memref<8x1024xf32, #tpu.memory_space<vmem>>) dst(%dma_wait3A_252 : memref<8x1024xf32, #tpu.memory_space<hbm>>)
    %add3A_253 = arith.constant 112 : i32
    %add3A_254 = arith.addi %add3A_4, %add3A_253 : i32
    %dma_start3A_255 = arith.constant 0 : i32
    %dma_start3A_256 = tpu.memref_slice %arg2[%add3A_254, %dma_start3A_255] : memref<12800x1024xf32, #tpu.memory_space<hbm>> -> memref<8x1024xf32, #tpu.memory_space<hbm>>
    %dma_start3A_257 = arith.constant 0 : i32
    %dma_start3A_258 = tpu.memref_slice %arg2[%add3A_254, %dma_start3A_257] : memref<12800x1024xf32, #tpu.memory_space<hbm>> -> memref<8x1024xf32, #tpu.memory_space<hbm>>
    tpu.enqueue_dma source(%dma_start3A_258 : memref<8x1024xf32, #tpu.memory_space<hbm>>) target(%arg6 : memref<8x1024xf32, #tpu.memory_space<vmem>>) target_semaphore(%arg10 : memref<!tpu.dma_semaphore, #tpu.memory_space<semaphore_mem>>)
    %dma_wait3A_259 = arith.constant 0 : i32
    %dma_wait3A_260 = tpu.memref_slice %arg2[%add3A_214, %dma_wait3A_259] : memref<12800x1024xf32, #tpu.memory_space<hbm>> -> memref<8x1024xf32, #tpu.memory_space<hbm>>
    %dma_wait3A_261 = arith.constant 0 : i32
    %dma_wait3A_262 = tpu.memref_slice %arg2[%add3A_214, %dma_wait3A_261] : memref<12800x1024xf32, #tpu.memory_space<hbm>> -> memref<8x1024xf32, #tpu.memory_space<hbm>>
    tpu.wait_dma2 semaphore(%arg8 : memref<!tpu.dma_semaphore, #tpu.memory_space<semaphore_mem>>) src(%dma_wait3A_262 : memref<8x1024xf32, #tpu.memory_space<hbm>>) dst(%arg4 : memref<8x1024xf32, #tpu.memory_space<vmem>>)
    %add3A_263 = arith.constant 96 : i32
    %add3A_264 = arith.addi %mul3A_6, %add3A_263 : i32
    %dma_start3A_265 = arith.constant 0 : i32
    %dma_start3A_266 = tpu.memref_slice %arg3[%add3A_264, %dma_start3A_265] : memref<6400x1024xf32, #tpu.memory_space<hbm>> -> memref<8x1024xf32, #tpu.memory_space<hbm>>
    %dma_start3A_267 = arith.constant 0 : i32
    %dma_start3A_268 = tpu.memref_slice %arg3[%add3A_264, %dma_start3A_267] : memref<6400x1024xf32, #tpu.memory_space<hbm>> -> memref<8x1024xf32, #tpu.memory_space<hbm>>
    tpu.enqueue_dma source(%arg4 : memref<8x1024xf32, #tpu.memory_space<vmem>>) target(%dma_start3A_268 : memref<8x1024xf32, #tpu.memory_space<hbm>>) target_semaphore(%arg12 : memref<!tpu.dma_semaphore, #tpu.memory_space<semaphore_mem>>)
    %dma_wait3A_269 = arith.constant 0 : i32
    %dma_wait3A_270 = tpu.memref_slice %arg3[%add3A_244, %dma_wait3A_269] : memref<6400x1024xf32, #tpu.memory_space<hbm>> -> memref<8x1024xf32, #tpu.memory_space<hbm>>
    %dma_wait3A_271 = arith.constant 0 : i32
    %dma_wait3A_272 = tpu.memref_slice %arg3[%add3A_244, %dma_wait3A_271] : memref<6400x1024xf32, #tpu.memory_space<hbm>> -> memref<8x1024xf32, #tpu.memory_space<hbm>>
    tpu.wait_dma2 semaphore(%arg15 : memref<!tpu.dma_semaphore, #tpu.memory_space<semaphore_mem>>) src(%arg7 : memref<8x1024xf32, #tpu.memory_space<vmem>>) dst(%dma_wait3A_272 : memref<8x1024xf32, #tpu.memory_space<hbm>>)
    %add3A_273 = arith.constant 120 : i32
    %add3A_274 = arith.addi %add3A_4, %add3A_273 : i32
    %dma_start3A_275 = arith.constant 0 : i32
    %dma_start3A_276 = tpu.memref_slice %arg2[%add3A_274, %dma_start3A_275] : memref<12800x1024xf32, #tpu.memory_space<hbm>> -> memref<8x1024xf32, #tpu.memory_space<hbm>>
    %dma_start3A_277 = arith.constant 0 : i32
    %dma_start3A_278 = tpu.memref_slice %arg2[%add3A_274, %dma_start3A_277] : memref<12800x1024xf32, #tpu.memory_space<hbm>> -> memref<8x1024xf32, #tpu.memory_space<hbm>>
    tpu.enqueue_dma source(%dma_start3A_278 : memref<8x1024xf32, #tpu.memory_space<hbm>>) target(%arg7 : memref<8x1024xf32, #tpu.memory_space<vmem>>) target_semaphore(%arg11 : memref<!tpu.dma_semaphore, #tpu.memory_space<semaphore_mem>>)
    %dma_wait3A_279 = arith.constant 0 : i32
    %dma_wait3A_280 = tpu.memref_slice %arg2[%add3A_234, %dma_wait3A_279] : memref<12800x1024xf32, #tpu.memory_space<hbm>> -> memref<8x1024xf32, #tpu.memory_space<hbm>>
    %dma_wait3A_281 = arith.constant 0 : i32
    %dma_wait3A_282 = tpu.memref_slice %arg2[%add3A_234, %dma_wait3A_281] : memref<12800x1024xf32, #tpu.memory_space<hbm>> -> memref<8x1024xf32, #tpu.memory_space<hbm>>
    tpu.wait_dma2 semaphore(%arg9 : memref<!tpu.dma_semaphore, #tpu.memory_space<semaphore_mem>>) src(%dma_wait3A_282 : memref<8x1024xf32, #tpu.memory_space<hbm>>) dst(%arg5 : memref<8x1024xf32, #tpu.memory_space<vmem>>)
    %add3A_283 = arith.constant 104 : i32
    %add3A_284 = arith.addi %mul3A_6, %add3A_283 : i32
    %dma_start3A_285 = arith.constant 0 : i32
    %dma_start3A_286 = tpu.memref_slice %arg3[%add3A_284, %dma_start3A_285] : memref<6400x1024xf32, #tpu.memory_space<hbm>> -> memref<8x1024xf32, #tpu.memory_space<hbm>>
    %dma_start3A_287 = arith.constant 0 : i32
    %dma_start3A_288 = tpu.memref_slice %arg3[%add3A_284, %dma_start3A_287] : memref<6400x1024xf32, #tpu.memory_space<hbm>> -> memref<8x1024xf32, #tpu.memory_space<hbm>>
    tpu.enqueue_dma source(%arg5 : memref<8x1024xf32, #tpu.memory_space<vmem>>) target(%dma_start3A_288 : memref<8x1024xf32, #tpu.memory_space<hbm>>) target_semaphore(%arg13 : memref<!tpu.dma_semaphore, #tpu.memory_space<semaphore_mem>>)
    %dma_wait3A_289 = arith.constant 0 : i32
    %dma_wait3A_290 = tpu.memref_slice %arg3[%add3A_264, %dma_wait3A_289] : memref<6400x1024xf32, #tpu.memory_space<hbm>> -> memref<8x1024xf32, #tpu.memory_space<hbm>>
    %dma_wait3A_291 = arith.constant 0 : i32
    %dma_wait3A_292 = tpu.memref_slice %arg3[%add3A_264, %dma_wait3A_291] : memref<6400x1024xf32, #tpu.memory_space<hbm>> -> memref<8x1024xf32, #tpu.memory_space<hbm>>
    tpu.wait_dma2 semaphore(%arg12 : memref<!tpu.dma_semaphore, #tpu.memory_space<semaphore_mem>>) src(%arg4 : memref<8x1024xf32, #tpu.memory_space<vmem>>) dst(%dma_wait3A_292 : memref<8x1024xf32, #tpu.memory_space<hbm>>)
    %add3A_293 = arith.constant 128 : i32
    %add3A_294 = arith.addi %add3A_4, %add3A_293 : i32
    %dma_start3A_295 = arith.constant 0 : i32
    %dma_start3A_296 = tpu.memref_slice %arg2[%add3A_294, %dma_start3A_295] : memref<12800x1024xf32, #tpu.memory_space<hbm>> -> memref<8x1024xf32, #tpu.memory_space<hbm>>
    %dma_start3A_297 = arith.constant 0 : i32
    %dma_start3A_298 = tpu.memref_slice %arg2[%add3A_294, %dma_start3A_297] : memref<12800x1024xf32, #tpu.memory_space<hbm>> -> memref<8x1024xf32, #tpu.memory_space<hbm>>
    tpu.enqueue_dma source(%dma_start3A_298 : memref<8x1024xf32, #tpu.memory_space<hbm>>) target(%arg4 : memref<8x1024xf32, #tpu.memory_space<vmem>>) target_semaphore(%arg8 : memref<!tpu.dma_semaphore, #tpu.memory_space<semaphore_mem>>)
    %dma_wait3A_299 = arith.constant 0 : i32
    %dma_wait3A_300 = tpu.memref_slice %arg2[%add3A_254, %dma_wait3A_299] : memref<12800x1024xf32, #tpu.memory_space<hbm>> -> memref<8x1024xf32, #tpu.memory_space<hbm>>
    %dma_wait3A_301 = arith.constant 0 : i32
    %dma_wait3A_302 = tpu.memref_slice %arg2[%add3A_254, %dma_wait3A_301] : memref<12800x1024xf32, #tpu.memory_space<hbm>> -> memref<8x1024xf32, #tpu.memory_space<hbm>>
    tpu.wait_dma2 semaphore(%arg10 : memref<!tpu.dma_semaphore, #tpu.memory_space<semaphore_mem>>) src(%dma_wait3A_302 : memref<8x1024xf32, #tpu.memory_space<hbm>>) dst(%arg6 : memref<8x1024xf32, #tpu.memory_space<vmem>>)
    %add3A_303 = arith.constant 112 : i32
    %add3A_304 = arith.addi %mul3A_6, %add3A_303 : i32
    %dma_start3A_305 = arith.constant 0 : i32
    %dma_start3A_306 = tpu.memref_slice %arg3[%add3A_304, %dma_start3A_305] : memref<6400x1024xf32, #tpu.memory_space<hbm>> -> memref<8x1024xf32, #tpu.memory_space<hbm>>
    %dma_start3A_307 = arith.constant 0 : i32
    %dma_start3A_308 = tpu.memref_slice %arg3[%add3A_304, %dma_start3A_307] : memref<6400x1024xf32, #tpu.memory_space<hbm>> -> memref<8x1024xf32, #tpu.memory_space<hbm>>
    tpu.enqueue_dma source(%arg6 : memref<8x1024xf32, #tpu.memory_space<vmem>>) target(%dma_start3A_308 : memref<8x1024xf32, #tpu.memory_space<hbm>>) target_semaphore(%arg14 : memref<!tpu.dma_semaphore, #tpu.memory_space<semaphore_mem>>)
    %dma_wait3A_309 = arith.constant 0 : i32
    %dma_wait3A_310 = tpu.memref_slice %arg3[%add3A_284, %dma_wait3A_309] : memref<6400x1024xf32, #tpu.memory_space<hbm>> -> memref<8x1024xf32, #tpu.memory_space<hbm>>
    %dma_wait3A_311 = arith.constant 0 : i32
    %dma_wait3A_312 = tpu.memref_slice %arg3[%add3A_284, %dma_wait3A_311] : memref<6400x1024xf32, #tpu.memory_space<hbm>> -> memref<8x1024xf32, #tpu.memory_space<hbm>>
    tpu.wait_dma2 semaphore(%arg13 : memref<!tpu.dma_semaphore, #tpu.memory_space<semaphore_mem>>) src(%arg5 : memref<8x1024xf32, #tpu.memory_space<vmem>>) dst(%dma_wait3A_312 : memref<8x1024xf32, #tpu.memory_space<hbm>>)
    %add3A_313 = arith.constant 136 : i32
    %add3A_314 = arith.addi %add3A_4, %add3A_313 : i32
    %dma_start3A_315 = arith.constant 0 : i32
    %dma_start3A_316 = tpu.memref_slice %arg2[%add3A_314, %dma_start3A_315] : memref<12800x1024xf32, #tpu.memory_space<hbm>> -> memref<8x1024xf32, #tpu.memory_space<hbm>>
    %dma_start3A_317 = arith.constant 0 : i32
    %dma_start3A_318 = tpu.memref_slice %arg2[%add3A_314, %dma_start3A_317] : memref<12800x1024xf32, #tpu.memory_space<hbm>> -> memref<8x1024xf32, #tpu.memory_space<hbm>>
    tpu.enqueue_dma source(%dma_start3A_318 : memref<8x1024xf32, #tpu.memory_space<hbm>>) target(%arg5 : memref<8x1024xf32, #tpu.memory_space<vmem>>) target_semaphore(%arg9 : memref<!tpu.dma_semaphore, #tpu.memory_space<semaphore_mem>>)
    %dma_wait3A_319 = arith.constant 0 : i32
    %dma_wait3A_320 = tpu.memref_slice %arg2[%add3A_274, %dma_wait3A_319] : memref<12800x1024xf32, #tpu.memory_space<hbm>> -> memref<8x1024xf32, #tpu.memory_space<hbm>>
    %dma_wait3A_321 = arith.constant 0 : i32
    %dma_wait3A_322 = tpu.memref_slice %arg2[%add3A_274, %dma_wait3A_321] : memref<12800x1024xf32, #tpu.memory_space<hbm>> -> memref<8x1024xf32, #tpu.memory_space<hbm>>
    tpu.wait_dma2 semaphore(%arg11 : memref<!tpu.dma_semaphore, #tpu.memory_space<semaphore_mem>>) src(%dma_wait3A_322 : memref<8x1024xf32, #tpu.memory_space<hbm>>) dst(%arg7 : memref<8x1024xf32, #tpu.memory_space<vmem>>)
    %add3A_323 = arith.constant 120 : i32
    %add3A_324 = arith.addi %mul3A_6, %add3A_323 : i32
    %dma_start3A_325 = arith.constant 0 : i32
    %dma_start3A_326 = tpu.memref_slice %arg3[%add3A_324, %dma_start3A_325] : memref<6400x1024xf32, #tpu.memory_space<hbm>> -> memref<8x1024xf32, #tpu.memory_space<hbm>>
    %dma_start3A_327 = arith.constant 0 : i32
    %dma_start3A_328 = tpu.memref_slice %arg3[%add3A_324, %dma_start3A_327] : memref<6400x1024xf32, #tpu.memory_space<hbm>> -> memref<8x1024xf32, #tpu.memory_space<hbm>>
    tpu.enqueue_dma source(%arg7 : memref<8x1024xf32, #tpu.memory_space<vmem>>) target(%dma_start3A_328 : memref<8x1024xf32, #tpu.memory_space<hbm>>) target_semaphore(%arg15 : memref<!tpu.dma_semaphore, #tpu.memory_space<semaphore_mem>>)
    %dma_wait3A_329 = arith.constant 0 : i32
    %dma_wait3A_330 = tpu.memref_slice %arg3[%add3A_304, %dma_wait3A_329] : memref<6400x1024xf32, #tpu.memory_space<hbm>> -> memref<8x1024xf32, #tpu.memory_space<hbm>>
    %dma_wait3A_331 = arith.constant 0 : i32
    %dma_wait3A_332 = tpu.memref_slice %arg3[%add3A_304, %dma_wait3A_331] : memref<6400x1024xf32, #tpu.memory_space<hbm>> -> memref<8x1024xf32, #tpu.memory_space<hbm>>
    tpu.wait_dma2 semaphore(%arg14 : memref<!tpu.dma_semaphore, #tpu.memory_space<semaphore_mem>>) src(%arg6 : memref<8x1024xf32, #tpu.memory_space<vmem>>) dst(%dma_wait3A_332 : memref<8x1024xf32, #tpu.memory_space<hbm>>)
    %add3A_333 = arith.constant 144 : i32
    %add3A_334 = arith.addi %add3A_4, %add3A_333 : i32
    %dma_start3A_335 = arith.constant 0 : i32
    %dma_start3A_336 = tpu.memref_slice %arg2[%add3A_334, %dma_start3A_335] : memref<12800x1024xf32, #tpu.memory_space<hbm>> -> memref<8x1024xf32, #tpu.memory_space<hbm>>
    %dma_start3A_337 = arith.constant 0 : i32
    %dma_start3A_338 = tpu.memref_slice %arg2[%add3A_334, %dma_start3A_337] : memref<12800x1024xf32, #tpu.memory_space<hbm>> -> memref<8x1024xf32, #tpu.memory_space<hbm>>
    tpu.enqueue_dma source(%dma_start3A_338 : memref<8x1024xf32, #tpu.memory_space<hbm>>) target(%arg6 : memref<8x1024xf32, #tpu.memory_space<vmem>>) target_semaphore(%arg10 : memref<!tpu.dma_semaphore, #tpu.memory_space<semaphore_mem>>)
    %dma_wait3A_339 = arith.constant 0 : i32
    %dma_wait3A_340 = tpu.memref_slice %arg2[%add3A_294, %dma_wait3A_339] : memref<12800x1024xf32, #tpu.memory_space<hbm>> -> memref<8x1024xf32, #tpu.memory_space<hbm>>
    %dma_wait3A_341 = arith.constant 0 : i32
    %dma_wait3A_342 = tpu.memref_slice %arg2[%add3A_294, %dma_wait3A_341] : memref<12800x1024xf32, #tpu.memory_space<hbm>> -> memref<8x1024xf32, #tpu.memory_space<hbm>>
    tpu.wait_dma2 semaphore(%arg8 : memref<!tpu.dma_semaphore, #tpu.memory_space<semaphore_mem>>) src(%dma_wait3A_342 : memref<8x1024xf32, #tpu.memory_space<hbm>>) dst(%arg4 : memref<8x1024xf32, #tpu.memory_space<vmem>>)
    %add3A_343 = arith.constant 128 : i32
    %add3A_344 = arith.addi %mul3A_6, %add3A_343 : i32
    %dma_start3A_345 = arith.constant 0 : i32
    %dma_start3A_346 = tpu.memref_slice %arg3[%add3A_344, %dma_start3A_345] : memref<6400x1024xf32, #tpu.memory_space<hbm>> -> memref<8x1024xf32, #tpu.memory_space<hbm>>
    %dma_start3A_347 = arith.constant 0 : i32
    %dma_start3A_348 = tpu.memref_slice %arg3[%add3A_344, %dma_start3A_347] : memref<6400x1024xf32, #tpu.memory_space<hbm>> -> memref<8x1024xf32, #tpu.memory_space<hbm>>
    tpu.enqueue_dma source(%arg4 : memref<8x1024xf32, #tpu.memory_space<vmem>>) target(%dma_start3A_348 : memref<8x1024xf32, #tpu.memory_space<hbm>>) target_semaphore(%arg12 : memref<!tpu.dma_semaphore, #tpu.memory_space<semaphore_mem>>)
    %dma_wait3A_349 = arith.constant 0 : i32
    %dma_wait3A_350 = tpu.memref_slice %arg3[%add3A_324, %dma_wait3A_349] : memref<6400x1024xf32, #tpu.memory_space<hbm>> -> memref<8x1024xf32, #tpu.memory_space<hbm>>
    %dma_wait3A_351 = arith.constant 0 : i32
    %dma_wait3A_352 = tpu.memref_slice %arg3[%add3A_324, %dma_wait3A_351] : memref<6400x1024xf32, #tpu.memory_space<hbm>> -> memref<8x1024xf32, #tpu.memory_space<hbm>>
    tpu.wait_dma2 semaphore(%arg15 : memref<!tpu.dma_semaphore, #tpu.memory_space<semaphore_mem>>) src(%arg7 : memref<8x1024xf32, #tpu.memory_space<vmem>>) dst(%dma_wait3A_352 : memref<8x1024xf32, #tpu.memory_space<hbm>>)
    %add3A_353 = arith.constant 152 : i32
    %add3A_354 = arith.addi %add3A_4, %add3A_353 : i32
    %dma_start3A_355 = arith.constant 0 : i32
    %dma_start3A_356 = tpu.memref_slice %arg2[%add3A_354, %dma_start3A_355] : memref<12800x1024xf32, #tpu.memory_space<hbm>> -> memref<8x1024xf32, #tpu.memory_space<hbm>>
    %dma_start3A_357 = arith.constant 0 : i32
    %dma_start3A_358 = tpu.memref_slice %arg2[%add3A_354, %dma_start3A_357] : memref<12800x1024xf32, #tpu.memory_space<hbm>> -> memref<8x1024xf32, #tpu.memory_space<hbm>>
    tpu.enqueue_dma source(%dma_start3A_358 : memref<8x1024xf32, #tpu.memory_space<hbm>>) target(%arg7 : memref<8x1024xf32, #tpu.memory_space<vmem>>) target_semaphore(%arg11 : memref<!tpu.dma_semaphore, #tpu.memory_space<semaphore_mem>>)
    %dma_wait3A_359 = arith.constant 0 : i32
    %dma_wait3A_360 = tpu.memref_slice %arg2[%add3A_314, %dma_wait3A_359] : memref<12800x1024xf32, #tpu.memory_space<hbm>> -> memref<8x1024xf32, #tpu.memory_space<hbm>>
    %dma_wait3A_361 = arith.constant 0 : i32
    %dma_wait3A_362 = tpu.memref_slice %arg2[%add3A_314, %dma_wait3A_361] : memref<12800x1024xf32, #tpu.memory_space<hbm>> -> memref<8x1024xf32, #tpu.memory_space<hbm>>
    tpu.wait_dma2 semaphore(%arg9 : memref<!tpu.dma_semaphore, #tpu.memory_space<semaphore_mem>>) src(%dma_wait3A_362 : memref<8x1024xf32, #tpu.memory_space<hbm>>) dst(%arg5 : memref<8x1024xf32, #tpu.memory_space<vmem>>)
    %add3A_363 = arith.constant 136 : i32
    %add3A_364 = arith.addi %mul3A_6, %add3A_363 : i32
    %dma_start3A_365 = arith.constant 0 : i32
    %dma_start3A_366 = tpu.memref_slice %arg3[%add3A_364, %dma_start3A_365] : memref<6400x1024xf32, #tpu.memory_space<hbm>> -> memref<8x1024xf32, #tpu.memory_space<hbm>>
    %dma_start3A_367 = arith.constant 0 : i32
    %dma_start3A_368 = tpu.memref_slice %arg3[%add3A_364, %dma_start3A_367] : memref<6400x1024xf32, #tpu.memory_space<hbm>> -> memref<8x1024xf32, #tpu.memory_space<hbm>>
    tpu.enqueue_dma source(%arg5 : memref<8x1024xf32, #tpu.memory_space<vmem>>) target(%dma_start3A_368 : memref<8x1024xf32, #tpu.memory_space<hbm>>) target_semaphore(%arg13 : memref<!tpu.dma_semaphore, #tpu.memory_space<semaphore_mem>>)
    %dma_wait3A_369 = arith.constant 0 : i32
    %dma_wait3A_370 = tpu.memref_slice %arg3[%add3A_344, %dma_wait3A_369] : memref<6400x1024xf32, #tpu.memory_space<hbm>> -> memref<8x1024xf32, #tpu.memory_space<hbm>>
    %dma_wait3A_371 = arith.constant 0 : i32
    %dma_wait3A_372 = tpu.memref_slice %arg3[%add3A_344, %dma_wait3A_371] : memref<6400x1024xf32, #tpu.memory_space<hbm>> -> memref<8x1024xf32, #tpu.memory_space<hbm>>
    tpu.wait_dma2 semaphore(%arg12 : memref<!tpu.dma_semaphore, #tpu.memory_space<semaphore_mem>>) src(%arg4 : memref<8x1024xf32, #tpu.memory_space<vmem>>) dst(%dma_wait3A_372 : memref<8x1024xf32, #tpu.memory_space<hbm>>)
    %add3A_373 = arith.constant 160 : i32
    %add3A_374 = arith.addi %add3A_4, %add3A_373 : i32
    %dma_start3A_375 = arith.constant 0 : i32
    %dma_start3A_376 = tpu.memref_slice %arg2[%add3A_374, %dma_start3A_375] : memref<12800x1024xf32, #tpu.memory_space<hbm>> -> memref<8x1024xf32, #tpu.memory_space<hbm>>
    %dma_start3A_377 = arith.constant 0 : i32
    %dma_start3A_378 = tpu.memref_slice %arg2[%add3A_374, %dma_start3A_377] : memref<12800x1024xf32, #tpu.memory_space<hbm>> -> memref<8x1024xf32, #tpu.memory_space<hbm>>
    tpu.enqueue_dma source(%dma_start3A_378 : memref<8x1024xf32, #tpu.memory_space<hbm>>) target(%arg4 : memref<8x1024xf32, #tpu.memory_space<vmem>>) target_semaphore(%arg8 : memref<!tpu.dma_semaphore, #tpu.memory_space<semaphore_mem>>)
    %dma_wait3A_379 = arith.constant 0 : i32
    %dma_wait3A_380 = tpu.memref_slice %arg2[%add3A_334, %dma_wait3A_379] : memref<12800x1024xf32, #tpu.memory_space<hbm>> -> memref<8x1024xf32, #tpu.memory_space<hbm>>
    %dma_wait3A_381 = arith.constant 0 : i32
    %dma_wait3A_382 = tpu.memref_slice %arg2[%add3A_334, %dma_wait3A_381] : memref<12800x1024xf32, #tpu.memory_space<hbm>> -> memref<8x1024xf32, #tpu.memory_space<hbm>>
    tpu.wait_dma2 semaphore(%arg10 : memref<!tpu.dma_semaphore, #tpu.memory_space<semaphore_mem>>) src(%dma_wait3A_382 : memref<8x1024xf32, #tpu.memory_space<hbm>>) dst(%arg6 : memref<8x1024xf32, #tpu.memory_space<vmem>>)
    %add3A_383 = arith.constant 144 : i32
    %add3A_384 = arith.addi %mul3A_6, %add3A_383 : i32
    %dma_start3A_385 = arith.constant 0 : i32
    %dma_start3A_386 = tpu.memref_slice %arg3[%add3A_384, %dma_start3A_385] : memref<6400x1024xf32, #tpu.memory_space<hbm>> -> memref<8x1024xf32, #tpu.memory_space<hbm>>
    %dma_start3A_387 = arith.constant 0 : i32
    %dma_start3A_388 = tpu.memref_slice %arg3[%add3A_384, %dma_start3A_387] : memref<6400x1024xf32, #tpu.memory_space<hbm>> -> memref<8x1024xf32, #tpu.memory_space<hbm>>
    tpu.enqueue_dma source(%arg6 : memref<8x1024xf32, #tpu.memory_space<vmem>>) target(%dma_start3A_388 : memref<8x1024xf32, #tpu.memory_space<hbm>>) target_semaphore(%arg14 : memref<!tpu.dma_semaphore, #tpu.memory_space<semaphore_mem>>)
    %dma_wait3A_389 = arith.constant 0 : i32
    %dma_wait3A_390 = tpu.memref_slice %arg3[%add3A_364, %dma_wait3A_389] : memref<6400x1024xf32, #tpu.memory_space<hbm>> -> memref<8x1024xf32, #tpu.memory_space<hbm>>
    %dma_wait3A_391 = arith.constant 0 : i32
    %dma_wait3A_392 = tpu.memref_slice %arg3[%add3A_364, %dma_wait3A_391] : memref<6400x1024xf32, #tpu.memory_space<hbm>> -> memref<8x1024xf32, #tpu.memory_space<hbm>>
    tpu.wait_dma2 semaphore(%arg13 : memref<!tpu.dma_semaphore, #tpu.memory_space<semaphore_mem>>) src(%arg5 : memref<8x1024xf32, #tpu.memory_space<vmem>>) dst(%dma_wait3A_392 : memref<8x1024xf32, #tpu.memory_space<hbm>>)
    %add3A_393 = arith.constant 168 : i32
    %add3A_394 = arith.addi %add3A_4, %add3A_393 : i32
    %dma_start3A_395 = arith.constant 0 : i32
    %dma_start3A_396 = tpu.memref_slice %arg2[%add3A_394, %dma_start3A_395] : memref<12800x1024xf32, #tpu.memory_space<hbm>> -> memref<8x1024xf32, #tpu.memory_space<hbm>>
    %dma_start3A_397 = arith.constant 0 : i32
    %dma_start3A_398 = tpu.memref_slice %arg2[%add3A_394, %dma_start3A_397] : memref<12800x1024xf32, #tpu.memory_space<hbm>> -> memref<8x1024xf32, #tpu.memory_space<hbm>>
    tpu.enqueue_dma source(%dma_start3A_398 : memref<8x1024xf32, #tpu.memory_space<hbm>>) target(%arg5 : memref<8x1024xf32, #tpu.memory_space<vmem>>) target_semaphore(%arg9 : memref<!tpu.dma_semaphore, #tpu.memory_space<semaphore_mem>>)
    %dma_wait3A_399 = arith.constant 0 : i32
    %dma_wait3A_400 = tpu.memref_slice %arg2[%add3A_354, %dma_wait3A_399] : memref<12800x1024xf32, #tpu.memory_space<hbm>> -> memref<8x1024xf32, #tpu.memory_space<hbm>>
    %dma_wait3A_401 = arith.constant 0 : i32
    %dma_wait3A_402 = tpu.memref_slice %arg2[%add3A_354, %dma_wait3A_401] : memref<12800x1024xf32, #tpu.memory_space<hbm>> -> memref<8x1024xf32, #tpu.memory_space<hbm>>
    tpu.wait_dma2 semaphore(%arg11 : memref<!tpu.dma_semaphore, #tpu.memory_space<semaphore_mem>>) src(%dma_wait3A_402 : memref<8x1024xf32, #tpu.memory_space<hbm>>) dst(%arg7 : memref<8x1024xf32, #tpu.memory_space<vmem>>)
    %add3A_403 = arith.constant 152 : i32
    %add3A_404 = arith.addi %mul3A_6, %add3A_403 : i32
    %dma_start3A_405 = arith.constant 0 : i32
    %dma_start3A_406 = tpu.memref_slice %arg3[%add3A_404, %dma_start3A_405] : memref<6400x1024xf32, #tpu.memory_space<hbm>> -> memref<8x1024xf32, #tpu.memory_space<hbm>>
    %dma_start3A_407 = arith.constant 0 : i32
    %dma_start3A_408 = tpu.memref_slice %arg3[%add3A_404, %dma_start3A_407] : memref<6400x1024xf32, #tpu.memory_space<hbm>> -> memref<8x1024xf32, #tpu.memory_space<hbm>>
    tpu.enqueue_dma source(%arg7 : memref<8x1024xf32, #tpu.memory_space<vmem>>) target(%dma_start3A_408 : memref<8x1024xf32, #tpu.memory_space<hbm>>) target_semaphore(%arg15 : memref<!tpu.dma_semaphore, #tpu.memory_space<semaphore_mem>>)
    %dma_wait3A_409 = arith.constant 0 : i32
    %dma_wait3A_410 = tpu.memref_slice %arg3[%add3A_384, %dma_wait3A_409] : memref<6400x1024xf32, #tpu.memory_space<hbm>> -> memref<8x1024xf32, #tpu.memory_space<hbm>>
    %dma_wait3A_411 = arith.constant 0 : i32
    %dma_wait3A_412 = tpu.memref_slice %arg3[%add3A_384, %dma_wait3A_411] : memref<6400x1024xf32, #tpu.memory_space<hbm>> -> memref<8x1024xf32, #tpu.memory_space<hbm>>
    tpu.wait_dma2 semaphore(%arg14 : memref<!tpu.dma_semaphore, #tpu.memory_space<semaphore_mem>>) src(%arg6 : memref<8x1024xf32, #tpu.memory_space<vmem>>) dst(%dma_wait3A_412 : memref<8x1024xf32, #tpu.memory_space<hbm>>)
    %add3A_413 = arith.constant 176 : i32
    %add3A_414 = arith.addi %add3A_4, %add3A_413 : i32
    %dma_start3A_415 = arith.constant 0 : i32
    %dma_start3A_416 = tpu.memref_slice %arg2[%add3A_414, %dma_start3A_415] : memref<12800x1024xf32, #tpu.memory_space<hbm>> -> memref<8x1024xf32, #tpu.memory_space<hbm>>
    %dma_start3A_417 = arith.constant 0 : i32
    %dma_start3A_418 = tpu.memref_slice %arg2[%add3A_414, %dma_start3A_417] : memref<12800x1024xf32, #tpu.memory_space<hbm>> -> memref<8x1024xf32, #tpu.memory_space<hbm>>
    tpu.enqueue_dma source(%dma_start3A_418 : memref<8x1024xf32, #tpu.memory_space<hbm>>) target(%arg6 : memref<8x1024xf32, #tpu.memory_space<vmem>>) target_semaphore(%arg10 : memref<!tpu.dma_semaphore, #tpu.memory_space<semaphore_mem>>)
    %dma_wait3A_419 = arith.constant 0 : i32
    %dma_wait3A_420 = tpu.memref_slice %arg2[%add3A_374, %dma_wait3A_419] : memref<12800x1024xf32, #tpu.memory_space<hbm>> -> memref<8x1024xf32, #tpu.memory_space<hbm>>
    %dma_wait3A_421 = arith.constant 0 : i32
    %dma_wait3A_422 = tpu.memref_slice %arg2[%add3A_374, %dma_wait3A_421] : memref<12800x1024xf32, #tpu.memory_space<hbm>> -> memref<8x1024xf32, #tpu.memory_space<hbm>>
    tpu.wait_dma2 semaphore(%arg8 : memref<!tpu.dma_semaphore, #tpu.memory_space<semaphore_mem>>) src(%dma_wait3A_422 : memref<8x1024xf32, #tpu.memory_space<hbm>>) dst(%arg4 : memref<8x1024xf32, #tpu.memory_space<vmem>>)
    %add3A_423 = arith.constant 160 : i32
    %add3A_424 = arith.addi %mul3A_6, %add3A_423 : i32
    %dma_start3A_425 = arith.constant 0 : i32
    %dma_start3A_426 = tpu.memref_slice %arg3[%add3A_424, %dma_start3A_425] : memref<6400x1024xf32, #tpu.memory_space<hbm>> -> memref<8x1024xf32, #tpu.memory_space<hbm>>
    %dma_start3A_427 = arith.constant 0 : i32
    %dma_start3A_428 = tpu.memref_slice %arg3[%add3A_424, %dma_start3A_427] : memref<6400x1024xf32, #tpu.memory_space<hbm>> -> memref<8x1024xf32, #tpu.memory_space<hbm>>
    tpu.enqueue_dma source(%arg4 : memref<8x1024xf32, #tpu.memory_space<vmem>>) target(%dma_start3A_428 : memref<8x1024xf32, #tpu.memory_space<hbm>>) target_semaphore(%arg12 : memref<!tpu.dma_semaphore, #tpu.memory_space<semaphore_mem>>)
    %dma_wait3A_429 = arith.constant 0 : i32
    %dma_wait3A_430 = tpu.memref_slice %arg3[%add3A_404, %dma_wait3A_429] : memref<6400x1024xf32, #tpu.memory_space<hbm>> -> memref<8x1024xf32, #tpu.memory_space<hbm>>
    %dma_wait3A_431 = arith.constant 0 : i32
    %dma_wait3A_432 = tpu.memref_slice %arg3[%add3A_404, %dma_wait3A_431] : memref<6400x1024xf32, #tpu.memory_space<hbm>> -> memref<8x1024xf32, #tpu.memory_space<hbm>>
    tpu.wait_dma2 semaphore(%arg15 : memref<!tpu.dma_semaphore, #tpu.memory_space<semaphore_mem>>) src(%arg7 : memref<8x1024xf32, #tpu.memory_space<vmem>>) dst(%dma_wait3A_432 : memref<8x1024xf32, #tpu.memory_space<hbm>>)
    %add3A_433 = arith.constant 184 : i32
    %add3A_434 = arith.addi %add3A_4, %add3A_433 : i32
    %dma_start3A_435 = arith.constant 0 : i32
    %dma_start3A_436 = tpu.memref_slice %arg2[%add3A_434, %dma_start3A_435] : memref<12800x1024xf32, #tpu.memory_space<hbm>> -> memref<8x1024xf32, #tpu.memory_space<hbm>>
    %dma_start3A_437 = arith.constant 0 : i32
    %dma_start3A_438 = tpu.memref_slice %arg2[%add3A_434, %dma_start3A_437] : memref<12800x1024xf32, #tpu.memory_space<hbm>> -> memref<8x1024xf32, #tpu.memory_space<hbm>>
    tpu.enqueue_dma source(%dma_start3A_438 : memref<8x1024xf32, #tpu.memory_space<hbm>>) target(%arg7 : memref<8x1024xf32, #tpu.memory_space<vmem>>) target_semaphore(%arg11 : memref<!tpu.dma_semaphore, #tpu.memory_space<semaphore_mem>>)
    %dma_wait3A_439 = arith.constant 0 : i32
    %dma_wait3A_440 = tpu.memref_slice %arg2[%add3A_394, %dma_wait3A_439] : memref<12800x1024xf32, #tpu.memory_space<hbm>> -> memref<8x1024xf32, #tpu.memory_space<hbm>>
    %dma_wait3A_441 = arith.constant 0 : i32
    %dma_wait3A_442 = tpu.memref_slice %arg2[%add3A_394, %dma_wait3A_441] : memref<12800x1024xf32, #tpu.memory_space<hbm>> -> memref<8x1024xf32, #tpu.memory_space<hbm>>
    tpu.wait_dma2 semaphore(%arg9 : memref<!tpu.dma_semaphore, #tpu.memory_space<semaphore_mem>>) src(%dma_wait3A_442 : memref<8x1024xf32, #tpu.memory_space<hbm>>) dst(%arg5 : memref<8x1024xf32, #tpu.memory_space<vmem>>)
    %add3A_443 = arith.constant 168 : i32
    %add3A_444 = arith.addi %mul3A_6, %add3A_443 : i32
    %dma_start3A_445 = arith.constant 0 : i32
    %dma_start3A_446 = tpu.memref_slice %arg3[%add3A_444, %dma_start3A_445] : memref<6400x1024xf32, #tpu.memory_space<hbm>> -> memref<8x1024xf32, #tpu.memory_space<hbm>>
    %dma_start3A_447 = arith.constant 0 : i32
    %dma_start3A_448 = tpu.memref_slice %arg3[%add3A_444, %dma_start3A_447] : memref<6400x1024xf32, #tpu.memory_space<hbm>> -> memref<8x1024xf32, #tpu.memory_space<hbm>>
    tpu.enqueue_dma source(%arg5 : memref<8x1024xf32, #tpu.memory_space<vmem>>) target(%dma_start3A_448 : memref<8x1024xf32, #tpu.memory_space<hbm>>) target_semaphore(%arg13 : memref<!tpu.dma_semaphore, #tpu.memory_space<semaphore_mem>>)
    %dma_wait3A_449 = arith.constant 0 : i32
    %dma_wait3A_450 = tpu.memref_slice %arg3[%add3A_424, %dma_wait3A_449] : memref<6400x1024xf32, #tpu.memory_space<hbm>> -> memref<8x1024xf32, #tpu.memory_space<hbm>>
    %dma_wait3A_451 = arith.constant 0 : i32
    %dma_wait3A_452 = tpu.memref_slice %arg3[%add3A_424, %dma_wait3A_451] : memref<6400x1024xf32, #tpu.memory_space<hbm>> -> memref<8x1024xf32, #tpu.memory_space<hbm>>
    tpu.wait_dma2 semaphore(%arg12 : memref<!tpu.dma_semaphore, #tpu.memory_space<semaphore_mem>>) src(%arg4 : memref<8x1024xf32, #tpu.memory_space<vmem>>) dst(%dma_wait3A_452 : memref<8x1024xf32, #tpu.memory_space<hbm>>)
    %add3A_453 = arith.constant 192 : i32
    %add3A_454 = arith.addi %add3A_4, %add3A_453 : i32
    %dma_start3A_455 = arith.constant 0 : i32
    %dma_start3A_456 = tpu.memref_slice %arg2[%add3A_454, %dma_start3A_455] : memref<12800x1024xf32, #tpu.memory_space<hbm>> -> memref<8x1024xf32, #tpu.memory_space<hbm>>
    %dma_start3A_457 = arith.constant 0 : i32
    %dma_start3A_458 = tpu.memref_slice %arg2[%add3A_454, %dma_start3A_457] : memref<12800x1024xf32, #tpu.memory_space<hbm>> -> memref<8x1024xf32, #tpu.memory_space<hbm>>
    tpu.enqueue_dma source(%dma_start3A_458 : memref<8x1024xf32, #tpu.memory_space<hbm>>) target(%arg4 : memref<8x1024xf32, #tpu.memory_space<vmem>>) target_semaphore(%arg8 : memref<!tpu.dma_semaphore, #tpu.memory_space<semaphore_mem>>)
    %dma_wait3A_459 = arith.constant 0 : i32
    %dma_wait3A_460 = tpu.memref_slice %arg2[%add3A_414, %dma_wait3A_459] : memref<12800x1024xf32, #tpu.memory_space<hbm>> -> memref<8x1024xf32, #tpu.memory_space<hbm>>
    %dma_wait3A_461 = arith.constant 0 : i32
    %dma_wait3A_462 = tpu.memref_slice %arg2[%add3A_414, %dma_wait3A_461] : memref<12800x1024xf32, #tpu.memory_space<hbm>> -> memref<8x1024xf32, #tpu.memory_space<hbm>>
    tpu.wait_dma2 semaphore(%arg10 : memref<!tpu.dma_semaphore, #tpu.memory_space<semaphore_mem>>) src(%dma_wait3A_462 : memref<8x1024xf32, #tpu.memory_space<hbm>>) dst(%arg6 : memref<8x1024xf32, #tpu.memory_space<vmem>>)
    %add3A_463 = arith.constant 176 : i32
    %add3A_464 = arith.addi %mul3A_6, %add3A_463 : i32
    %dma_start3A_465 = arith.constant 0 : i32
    %dma_start3A_466 = tpu.memref_slice %arg3[%add3A_464, %dma_start3A_465] : memref<6400x1024xf32, #tpu.memory_space<hbm>> -> memref<8x1024xf32, #tpu.memory_space<hbm>>
    %dma_start3A_467 = arith.constant 0 : i32
    %dma_start3A_468 = tpu.memref_slice %arg3[%add3A_464, %dma_start3A_467] : memref<6400x1024xf32, #tpu.memory_space<hbm>> -> memref<8x1024xf32, #tpu.memory_space<hbm>>
    tpu.enqueue_dma source(%arg6 : memref<8x1024xf32, #tpu.memory_space<vmem>>) target(%dma_start3A_468 : memref<8x1024xf32, #tpu.memory_space<hbm>>) target_semaphore(%arg14 : memref<!tpu.dma_semaphore, #tpu.memory_space<semaphore_mem>>)
    %dma_wait3A_469 = arith.constant 0 : i32
    %dma_wait3A_470 = tpu.memref_slice %arg2[%add3A_434, %dma_wait3A_469] : memref<12800x1024xf32, #tpu.memory_space<hbm>> -> memref<8x1024xf32, #tpu.memory_space<hbm>>
    %dma_wait3A_471 = arith.constant 0 : i32
    %dma_wait3A_472 = tpu.memref_slice %arg2[%add3A_434, %dma_wait3A_471] : memref<12800x1024xf32, #tpu.memory_space<hbm>> -> memref<8x1024xf32, #tpu.memory_space<hbm>>
    tpu.wait_dma2 semaphore(%arg11 : memref<!tpu.dma_semaphore, #tpu.memory_space<semaphore_mem>>) src(%dma_wait3A_472 : memref<8x1024xf32, #tpu.memory_space<hbm>>) dst(%arg7 : memref<8x1024xf32, #tpu.memory_space<vmem>>)
    %add3A_473 = arith.constant 184 : i32
    %add3A_474 = arith.addi %mul3A_6, %add3A_473 : i32
    %dma_start3A_475 = arith.constant 0 : i32
    %dma_start3A_476 = tpu.memref_slice %arg3[%add3A_474, %dma_start3A_475] : memref<6400x1024xf32, #tpu.memory_space<hbm>> -> memref<8x1024xf32, #tpu.memory_space<hbm>>
    %dma_start3A_477 = arith.constant 0 : i32
    %dma_start3A_478 = tpu.memref_slice %arg3[%add3A_474, %dma_start3A_477] : memref<6400x1024xf32, #tpu.memory_space<hbm>> -> memref<8x1024xf32, #tpu.memory_space<hbm>>
    tpu.enqueue_dma source(%arg7 : memref<8x1024xf32, #tpu.memory_space<vmem>>) target(%dma_start3A_478 : memref<8x1024xf32, #tpu.memory_space<hbm>>) target_semaphore(%arg15 : memref<!tpu.dma_semaphore, #tpu.memory_space<semaphore_mem>>)
    %dma_wait3A_479 = arith.constant 0 : i32
    %dma_wait3A_480 = tpu.memref_slice %arg2[%add3A_454, %dma_wait3A_479] : memref<12800x1024xf32, #tpu.memory_space<hbm>> -> memref<8x1024xf32, #tpu.memory_space<hbm>>
    %dma_wait3A_481 = arith.constant 0 : i32
    %dma_wait3A_482 = tpu.memref_slice %arg2[%add3A_454, %dma_wait3A_481] : memref<12800x1024xf32, #tpu.memory_space<hbm>> -> memref<8x1024xf32, #tpu.memory_space<hbm>>
    tpu.wait_dma2 semaphore(%arg8 : memref<!tpu.dma_semaphore, #tpu.memory_space<semaphore_mem>>) src(%dma_wait3A_482 : memref<8x1024xf32, #tpu.memory_space<hbm>>) dst(%arg4 : memref<8x1024xf32, #tpu.memory_space<vmem>>)
    %add3A_483 = arith.constant 192 : i32
    %add3A_484 = arith.addi %mul3A_6, %add3A_483 : i32
    %dma_start3A_485 = arith.constant 0 : i32
    %dma_start3A_486 = tpu.memref_slice %arg3[%add3A_484, %dma_start3A_485] : memref<6400x1024xf32, #tpu.memory_space<hbm>> -> memref<8x1024xf32, #tpu.memory_space<hbm>>
    %dma_start3A_487 = arith.constant 0 : i32
    %dma_start3A_488 = tpu.memref_slice %arg3[%add3A_484, %dma_start3A_487] : memref<6400x1024xf32, #tpu.memory_space<hbm>> -> memref<8x1024xf32, #tpu.memory_space<hbm>>
    tpu.enqueue_dma source(%arg4 : memref<8x1024xf32, #tpu.memory_space<vmem>>) target(%dma_start3A_488 : memref<8x1024xf32, #tpu.memory_space<hbm>>) target_semaphore(%arg12 : memref<!tpu.dma_semaphore, #tpu.memory_space<semaphore_mem>>)
    %dma_wait3A_489 = arith.constant 0 : i32
    %dma_wait3A_490 = tpu.memref_slice %arg3[%add3A_474, %dma_wait3A_489] : memref<6400x1024xf32, #tpu.memory_space<hbm>> -> memref<8x1024xf32, #tpu.memory_space<hbm>>
    %dma_wait3A_491 = arith.constant 0 : i32
    %dma_wait3A_492 = tpu.memref_slice %arg3[%add3A_474, %dma_wait3A_491] : memref<6400x1024xf32, #tpu.memory_space<hbm>> -> memref<8x1024xf32, #tpu.memory_space<hbm>>
    tpu.wait_dma2 semaphore(%arg15 : memref<!tpu.dma_semaphore, #tpu.memory_space<semaphore_mem>>) src(%arg7 : memref<8x1024xf32, #tpu.memory_space<vmem>>) dst(%dma_wait3A_492 : memref<8x1024xf32, #tpu.memory_space<hbm>>)
    %dma_wait3A_493 = arith.constant 0 : i32
    %dma_wait3A_494 = tpu.memref_slice %arg3[%add3A_484, %dma_wait3A_493] : memref<6400x1024xf32, #tpu.memory_space<hbm>> -> memref<8x1024xf32, #tpu.memory_space<hbm>>
    %dma_wait3A_495 = arith.constant 0 : i32
    %dma_wait3A_496 = tpu.memref_slice %arg3[%add3A_484, %dma_wait3A_495] : memref<6400x1024xf32, #tpu.memory_space<hbm>> -> memref<8x1024xf32, #tpu.memory_space<hbm>>
    tpu.wait_dma2 semaphore(%arg12 : memref<!tpu.dma_semaphore, #tpu.memory_space<semaphore_mem>>) src(%arg4 : memref<8x1024xf32, #tpu.memory_space<vmem>>) dst(%dma_wait3A_496 : memref<8x1024xf32, #tpu.memory_space<hbm>>)
    return
  }
}

module attributes {stable_mosaic.version = 14 : i64} {
  func.func @_tc_kernel(%arg0: i32, %arg1: memref<16x100x1024xf32, #tpu.memory_space<vmem>>, %arg2: memref<100x1024xf32, #tpu.memory_space<vmem>>, %arg3: memref<1x1024xf32, #tpu.memory_space<vmem>>, %arg4: memref<1x1024xf32, #tpu.memory_space<vmem>>, %arg5: memref<1x1024xf32, #tpu.memory_space<vmem>>, %arg6: memref<1x1024xf32, #tpu.memory_space<vmem>>, %arg7: memref<16x100x1024xf32, #tpu.memory_space<vmem>>) attributes {dimension_semantics = [#tpu.dimension_semantics<arbitrary>], iteration_bounds = array<i64: 4>, scalar_prefetch = 0 : i64, scratch_operands = 0 : i64, tpu.core_type = #tpu.core_type<tc>, window_params = [{transform_indices = @transform_0, window_bounds = array<i64: 16, 100, 1024>}, {pipeline_mode = #tpu.pipeline_mode<synchronous>, transform_indices = @transform_1, window_bounds = array<i64: 100, 1024>}, {pipeline_mode = #tpu.pipeline_mode<synchronous>, transform_indices = @transform_2, window_bounds = array<i64: 1, 1024>}, {pipeline_mode = #tpu.pipeline_mode<synchronous>, transform_indices = @transform_3, window_bounds = array<i64: 1, 1024>}, {pipeline_mode = #tpu.pipeline_mode<synchronous>, transform_indices = @transform_4, window_bounds = array<i64: 1, 1024>}, {pipeline_mode = #tpu.pipeline_mode<synchronous>, transform_indices = @transform_5, window_bounds = array<i64: 1, 1024>}, {transform_indices = @transform_6, window_bounds = array<i64: 16, 100, 1024>}]} {
    %get3A = arith.constant 0 : index
    %get3A_0 = arith.constant 0 : index
    %get3A_1 = vector.load %arg2[%get3A, %get3A_0] : memref<100x1024xf32, #tpu.memory_space<vmem>>, vector<100x1024xf32>
    %get3A_2 = arith.constant 0 : index
    %get3A_3 = arith.constant 0 : index
    %get3A_4 = vector.load %arg5[%get3A_2, %get3A_3] : memref<1x1024xf32, #tpu.memory_space<vmem>>, vector<1x1024xf32>
    %get3A_5 = vector.shape_cast %get3A_4 : vector<1x1024xf32> to vector<1024xf32>
    %get3A_6 = arith.constant 0 : index
    %get3A_7 = arith.constant 0 : index
    %get3A_8 = vector.load %arg6[%get3A_6, %get3A_7] : memref<1x1024xf32, #tpu.memory_space<vmem>>, vector<1x1024xf32>
    %get3A_9 = vector.shape_cast %get3A_8 : vector<1x1024xf32> to vector<1024xf32>
    %reduce_sum3A = arith.constant dense<0.000000e+00> : vector<100xf32>
    %reduce_sum3A_10 = vector.multi_reduction <add>, %get3A_1, %reduce_sum3A [1] : vector<100x1024xf32> to vector<100xf32>
    %broadcast_in_dim3A = vector.shape_cast %reduce_sum3A_10 : vector<100xf32> to vector<100x1xf32>
    %div3A = arith.constant 1.024000e+03 : f32
    %div3A_11 = vector.broadcast %div3A : f32 to vector<100x1xf32>
    %div3A_12 = arith.divf %broadcast_in_dim3A, %div3A_11 : vector<100x1xf32>
    %sub3A = vector.broadcast %div3A_12 : vector<100x1xf32> to vector<100x1024xf32>
    %sub3A_13 = arith.subf %get3A_1, %sub3A : vector<100x1024xf32>
    %mul3A = arith.mulf %sub3A_13, %sub3A_13 : vector<100x1024xf32>
    %reduce_sum3A_14 = arith.constant dense<0.000000e+00> : vector<100xf32>
    %reduce_sum3A_15 = vector.multi_reduction <add>, %mul3A, %reduce_sum3A_14 [1] : vector<100x1024xf32> to vector<100xf32>
    %broadcast_in_dim3A_16 = vector.shape_cast %reduce_sum3A_15 : vector<100xf32> to vector<100x1xf32>
    %div3A_17 = arith.constant 1.024000e+03 : f32
    %div3A_18 = vector.broadcast %div3A_17 : f32 to vector<100x1xf32>
    %div3A_19 = arith.divf %broadcast_in_dim3A_16, %div3A_18 : vector<100x1xf32>
    %add3A = arith.constant 9.99999996E-13 : f32
    %add3A_20 = vector.broadcast %add3A : f32 to vector<100x1xf32>
    %add3A_21 = arith.addf %div3A_19, %add3A_20 : vector<100x1xf32>
    %rsqrt3A = math.rsqrt %add3A_21 : vector<100x1xf32>
    %mul3A_22 = vector.broadcast %rsqrt3A : vector<100x1xf32> to vector<100x1024xf32>
    %mul3A_23 = arith.mulf %sub3A_13, %mul3A_22 : vector<100x1024xf32>
    %broadcast_in_dim3A_24 = vector.shape_cast %get3A_5 : vector<1024xf32> to vector<1x1024xf32>
    %mul3A_25 = vector.broadcast %broadcast_in_dim3A_24 : vector<1x1024xf32> to vector<100x1024xf32>
    %mul3A_26 = arith.mulf %mul3A_23, %mul3A_25 : vector<100x1024xf32>
    %broadcast_in_dim3A_27 = vector.shape_cast %get3A_9 : vector<1024xf32> to vector<1x1024xf32>
    %add3A_28 = vector.broadcast %broadcast_in_dim3A_27 : vector<1x1024xf32> to vector<100x1024xf32>
    %add3A_29 = arith.addf %mul3A_26, %add3A_28 : vector<100x1024xf32>
    %get3A_30 = arith.constant 0 : index
    %get3A_31 = arith.constant 0 : index
    %get3A_32 = arith.constant 0 : index
    %get3A_33 = vector.load %arg1[%get3A_30, %get3A_31, %get3A_32] : memref<16x100x1024xf32, #tpu.memory_space<vmem>>, vector<16x100x1024xf32>
    %get3A_34 = arith.constant 0 : index
    %get3A_35 = arith.constant 0 : index
    %get3A_36 = vector.load %arg3[%get3A_34, %get3A_35] : memref<1x1024xf32, #tpu.memory_space<vmem>>, vector<1x1024xf32>
    %get3A_37 = vector.shape_cast %get3A_36 : vector<1x1024xf32> to vector<1024xf32>
    %get3A_38 = arith.constant 0 : index
    %get3A_39 = arith.constant 0 : index
    %get3A_40 = vector.load %arg4[%get3A_38, %get3A_39] : memref<1x1024xf32, #tpu.memory_space<vmem>>, vector<1x1024xf32>
    %get3A_41 = vector.shape_cast %get3A_40 : vector<1x1024xf32> to vector<1024xf32>
    %reduce_sum3A_42 = arith.constant dense<0.000000e+00> : vector<16x100xf32>
    %reduce_sum3A_43 = vector.multi_reduction <add>, %get3A_33, %reduce_sum3A_42 [2] : vector<16x100x1024xf32> to vector<16x100xf32>
    %broadcast_in_dim3A_44 = vector.shape_cast %reduce_sum3A_43 : vector<16x100xf32> to vector<16x100x1xf32>
    %div3A_45 = arith.constant 1.024000e+03 : f32
    %div3A_46 = vector.broadcast %div3A_45 : f32 to vector<16x100x1xf32>
    %div3A_47 = arith.divf %broadcast_in_dim3A_44, %div3A_46 : vector<16x100x1xf32>
    %sub3A_48 = vector.broadcast %div3A_47 : vector<16x100x1xf32> to vector<16x100x1024xf32>
    %sub3A_49 = arith.subf %get3A_33, %sub3A_48 : vector<16x100x1024xf32>
    %mul3A_50 = arith.mulf %sub3A_49, %sub3A_49 : vector<16x100x1024xf32>
    %reduce_sum3A_51 = arith.constant dense<0.000000e+00> : vector<16x100xf32>
    %reduce_sum3A_52 = vector.multi_reduction <add>, %mul3A_50, %reduce_sum3A_51 [2] : vector<16x100x1024xf32> to vector<16x100xf32>
    %broadcast_in_dim3A_53 = vector.shape_cast %reduce_sum3A_52 : vector<16x100xf32> to vector<16x100x1xf32>
    %div3A_54 = arith.constant 1.024000e+03 : f32
    %div3A_55 = vector.broadcast %div3A_54 : f32 to vector<16x100x1xf32>
    %div3A_56 = arith.divf %broadcast_in_dim3A_53, %div3A_55 : vector<16x100x1xf32>
    %add3A_57 = arith.constant 9.99999996E-13 : f32
    %add3A_58 = vector.broadcast %add3A_57 : f32 to vector<16x100x1xf32>
    %add3A_59 = arith.addf %div3A_56, %add3A_58 : vector<16x100x1xf32>
    %rsqrt3A_60 = math.rsqrt %add3A_59 : vector<16x100x1xf32>
    %mul3A_61 = vector.broadcast %rsqrt3A_60 : vector<16x100x1xf32> to vector<16x100x1024xf32>
    %mul3A_62 = arith.mulf %sub3A_49, %mul3A_61 : vector<16x100x1024xf32>
    %broadcast_in_dim3A_63 = vector.shape_cast %get3A_37 : vector<1024xf32> to vector<1x1x1024xf32>
    %mul3A_64 = vector.broadcast %broadcast_in_dim3A_63 : vector<1x1x1024xf32> to vector<16x100x1024xf32>
    %mul3A_65 = arith.mulf %mul3A_62, %mul3A_64 : vector<16x100x1024xf32>
    %broadcast_in_dim3A_66 = vector.shape_cast %get3A_41 : vector<1024xf32> to vector<1x1x1024xf32>
    %add3A_67 = vector.broadcast %broadcast_in_dim3A_66 : vector<1x1x1024xf32> to vector<16x100x1024xf32>
    %add3A_68 = arith.addf %mul3A_65, %add3A_67 : vector<16x100x1024xf32>
    %broadcast_in_dim3A_69 = vector.shape_cast %add3A_29 : vector<100x1024xf32> to vector<1x100x1024xf32>
    %add3A_70 = vector.broadcast %broadcast_in_dim3A_69 : vector<1x100x1024xf32> to vector<16x100x1024xf32>
    %add3A_71 = arith.addf %add3A_68, %add3A_70 : vector<16x100x1024xf32>
    %swap3A = arith.constant 0 : index
    %swap3A_72 = arith.constant 0 : index
    %swap3A_73 = arith.constant 0 : index
    %swap3A_74 = vector.load %arg7[%swap3A, %swap3A_72, %swap3A_73] : memref<16x100x1024xf32, #tpu.memory_space<vmem>>, vector<16x100x1024xf32>
    tpu.vector_store %arg7[%swap3A, %swap3A_72, %swap3A_73], %add3A_71 {strides = array<i32>} : memref<16x100x1024xf32, #tpu.memory_space<vmem>>, vector<16x100x1024xf32>,
    return
  }
  func.func @transform_0(%arg0: i32) -> (i32, i32, i32) {
    %c0_i32 = arith.constant 0 : i32
    %c0_i32_0 = arith.constant 0 : i32
    %c0_i32_1 = arith.constant 0 : i32
    return %arg0, %c0_i32, %c0_i32_0 : i32, i32, i32
  }
  func.func @transform_1(%arg0: i32) -> (i32, i32) {
    %c0_i32 = arith.constant 0 : i32
    %c0_i32_0 = arith.constant 0 : i32
    %c0_i32_1 = arith.constant 0 : i32
    return %c0_i32, %c0_i32_0 : i32, i32
  }
  func.func @transform_2(%arg0: i32) -> (i32, i32) {
    %c0_i32 = arith.constant 0 : i32
    %c0_i32_0 = arith.constant 0 : i32
    %c0_i32_1 = arith.constant 0 : i32
    return %c0_i32, %c0_i32_0 : i32, i32
  }
  func.func @transform_3(%arg0: i32) -> (i32, i32) {
    %c0_i32 = arith.constant 0 : i32
    %c0_i32_0 = arith.constant 0 : i32
    %c0_i32_1 = arith.constant 0 : i32
    return %c0_i32, %c0_i32_0 : i32, i32
  }
  func.func @transform_4(%arg0: i32) -> (i32, i32) {
    %c0_i32 = arith.constant 0 : i32
    %c0_i32_0 = arith.constant 0 : i32
    %c0_i32_1 = arith.constant 0 : i32
    return %c0_i32, %c0_i32_0 : i32, i32
  }
  func.func @transform_5(%arg0: i32) -> (i32, i32) {
    %c0_i32 = arith.constant 0 : i32
    %c0_i32_0 = arith.constant 0 : i32
    %c0_i32_1 = arith.constant 0 : i32
    return %c0_i32, %c0_i32_0 : i32, i32
  }
  func.func @transform_6(%arg0: i32) -> (i32, i32, i32) {
    %c0_i32 = arith.constant 0 : i32
    %c0_i32_0 = arith.constant 0 : i32
    %c0_i32_1 = arith.constant 0 : i32
    return %arg0, %c0_i32, %c0_i32_0 : i32, i32, i32
  }
}

</mosaic_0001>

<sc_bundles>
// kernel: kernel.4.cloned.1.call-start
scs
__scs_entry_jumppad:
0x0: {  	(pc) =	sbr.rel $0x88, $3  }
0x1: {  	(tag) =	ssettag $0x0;
	lr =	simm.s32 $0x1  }
0x2: {  	[smem:$0x3F9B] =	sst lr;
	_ =	strace $0xD0000000  }
0x3: {  	_ = 	snop  }
0x4: {  	_ = 	snop  }
0x5: {  	_ = 	snop  }
0x6: {  	_ = 	snop  }
0x7: {  	_ = 	snop  }
__scs_overlays_trampoline_lowered:
0x8: {  	[smem:$0x3FAA] =	sst s0  }
0x9: {  	[smem:$0x3FAB] =	sst s1  }
0xa: {  	[smem:$0x3FAC] =	sst s2  }
0xb: {  	[smem:$0x3FAD] =	sst s3  }
0xc: {  	[smem:$0x3FAE] =	sst s4  }
0xd: {  	[smem:$0x3FAF] =	sst s5  }
0xe: {  	[smem:$0x3FB0] =	sst s6  }
0xf: {  	[smem:$0x3FB1] =	sst s7  }
0x10: {  	[smem:$0x3FB2] =	sst s8  }
0x11: {  	[smem:$0x3FB3] =	sst s9;
	s0 =	simm.s32 @!p0 $0x0  }
0x12: {  	s1 =	sld [smem:$0x3F99];
	s0 =	simm.s32 @p0 $0x1  }
0x13: {  	[smem:$0x3FB4] =	sst s0;
	s0 =	simm.s32 @!p1 $0x0  }
0x14: {  	s2 =	sld [smem:$0x3F98];
	s0 =	simm.s32 @p1 $0x1  }
0x15: {  	[smem:$0x3FB5] =	sst s0;
	s0 =	simm.s32 @!p2 $0x0  }
0x16: {  	s3 =	sld [smem:$0x3FDB];
	s0 =	simm.s32 @p2 $0x1  }
0x17: {  	s4 =	simm.s32 $0x1BF5;
	[smem:$0x3FB7] =	sst s0  }
0x18: {  	s0 =	sld [smem:$0x3F9A];
	_ =	swait.ge [sflag:s4], $0x0  }
0x19: {  	s7 =	sld [smem:$0x3F9B]  }
0x1a: {  	s8 =	sadd.s32 $0xFFFFE003, lr  }
0x1b: {  	s9 =	sadd.s32 $0xFFFFFEF7, lr;
	s5 =	simm.s32 $0xFFFFFFFF;
	p2 =	slt.u32 s8, $0xFFFFF086  }
0x1c: {  	p1 =	slt.u32 s9, $0xF7A;
	s5 =	simm.s32 @!p2 $0x0  }
0x1d: {  	s5 =	simm.s32 @p1 $0x1;
	p0 =	seq.s32 s7, s2  }
0x1e: {  	s7 =	smul.u32 @!p0 $0xF7A, s2;
	p2 =	seq.s32 @!p0 s5, $0x0  }
0x1f: {  	s9 =	smul.u32 $0xF7A, s1;
	s8 =	simm.s32 @!p0 $0x1BF5;
	p2 =	por !p2, p0  }
0x20: {  	[sflag:s8] =	ssyncset.s32 @!p0 $0xFFFFF086;
	s6 =	sadd.s32 @!p0 s3, s7;
	s7 =	simm.s32 @!p0 $0x108  }
0x21: {  	s3 =	sadd.s32 s3, s9;
	s6 =	sadd.s32 @!p0 $0x88, s6;
	s7 =	simm.s32 @p2 $0x1082  }
0x22: {  	[simem:s7], [sflag:s8] =	dma.local @!p0 [hbm:s6], $0xF7A  }
0x23: {  	s9 =	sor.u32 $0xD0000000, s2;
	s6 =	simm.s32 $0x108;
	_ =	swait.ge @!p0 [sflag:s8], $0x0  }
0x24: {  	s3 =	sadd.s32 $0x88, s3;
	s6 =	simm.s32 @!p1 $0x1082;
	[sflag:s4] =	ssyncset.s32 $0xFFFFF086  }
0x25: {  	[simem:s6], [sflag:s4] =	dma.local [hbm:s3], $0xF7A  }
0x26: {  	[smem:$0x3F9B] =	sst s1;
	(tag) =	ssettag s2;
	_ =	strace s9  }
0x27: {  	s1 =	sld [smem:$0x3FAB]  }
0x28: {  	s2 =	sld [smem:$0x3FAC]  }
0x29: {  	s4 =	sld [smem:$0x3FAE]  }
0x2a: {  	p0 =	seq.s32 s5, $0x0;
	s5 =	sld [smem:$0x3FAF]  }
0x2b: {  	s6 =	sld [smem:$0x3FB0]  }
0x2c: {  	s7 =	sld [smem:$0x3FB1]  }
0x2d: {  	s3 =	simm.s32 $0x108;
	s8 =	sld [smem:$0x3FB2]  }
0x2e: {  	s3 =	simm.s32 @!p0 $0x1082;
	s9 =	sld [smem:$0x3FB3]  }
0x2f: {  	lr =	sadd.s32 s0, s3;
	s0 =	sld [smem:$0x3FAA]  }
0x30: {  	s3 =	sld [smem:$0x3FAD]  }
0x31: {  	[smem:$0x3FB6] =	sst s10  }
0x32: {  	s10 =	sld [smem:$0x3FB4];
	_ =	sdelay $0x3  }
0x33: {  	p0 =	seq.s32 s10, $0x1;
	s10 =	sld [smem:$0x3FB6];
	_ =	sdelay $0x3  }
0x34: {  	[smem:$0x3FB6] =	sst s10  }
0x35: {  	s10 =	sld [smem:$0x3FB5];
	_ =	sdelay $0x3  }
0x36: {  	p1 =	seq.s32 s10, $0x1;
	s10 =	sld [smem:$0x3FB6];
	_ =	sdelay $0x3  }
0x37: {  	[smem:$0x3FB6] =	sst s10  }
0x38: {  	s10 =	sld [smem:$0x3FB7]  }
0x39: {  	_ = 	snop;
	(pc) =	sbr.ind lr, $3  }
0x3a: {  	_ = 	snop  }
0x3b: {  	_ = 	snop  }
0x3c: {  	p2 =	seq.s32 s10, $0x1;
	s10 =	sld [smem:$0x3FB6]  }
0x3d: {  	_ =	shalt  }
0x3e: {  	_ =	shalt  }
0x3f: {  	_ =	shalt  }
0x40: {  	_ =	shalt  }
0x41: {  	_ =	shalt  }
0x42: {  	_ =	shalt  }
0x43: {  	_ =	shalt  }
0x44: {  	_ =	shalt  }
0x45: {  	_ =	shalt  }
0x46: {  	_ =	shalt  }
0x47: {  	_ =	shalt  }
0x48: {  	_ =	shalt  }
0x49: {  	_ =	shalt  }
0x4a: {  	_ =	shalt  }
0x4b: {  	_ =	shalt  }
0x4c: {  	_ =	shalt  }
0x4d: {  	_ =	shalt  }
0x4e: {  	_ =	shalt  }
0x4f: {  	_ =	shalt  }
0x50: {  	_ =	shalt  }
0x51: {  	_ =	shalt  }
0x52: {  	_ =	shalt  }
0x53: {  	_ =	shalt  }
0x54: {  	_ =	shalt  }
0x55: {  	_ =	shalt  }
0x56: {  	_ =	shalt  }
0x57: {  	_ =	shalt  }
0x58: {  	_ =	shalt  }
0x59: {  	_ =	shalt  }
0x5a: {  	_ =	shalt  }
0x5b: {  	_ =	shalt  }
0x5c: {  	_ =	shalt  }
0x5d: {  	_ =	shalt  }
0x5e: {  	_ =	shalt  }
0x5f: {  	_ =	shalt  }
0x60: {  	_ =	shalt  }
0x61: {  	_ =	shalt  }
0x62: {  	_ =	shalt  }
0x63: {  	_ =	shalt  }
0x64: {  	_ =	shalt  }
0x65: {  	_ =	shalt  }
0x66: {  	_ =	shalt  }
0x67: {  	_ =	shalt  }
0x68: {  	_ =	shalt  }
0x69: {  	_ =	shalt  }
0x6a: {  	_ =	shalt  }
0x6b: {  	_ =	shalt  }
0x6c: {  	_ =	shalt  }
0x6d: {  	_ =	shalt  }
0x6e: {  	_ =	shalt  }
0x6f: {  	_ =	shalt  }
0x70: {  	_ =	shalt  }
0x71: {  	_ =	shalt  }
0x72: {  	_ =	shalt  }
0x73: {  	_ =	shalt  }
0x74: {  	_ =	shalt  }
0x75: {  	_ =	shalt  }
0x76: {  	_ =	shalt  }
0x77: {  	_ =	shalt  }
0x78: {  	_ =	shalt  }
0x79: {  	_ =	shalt  }
0x7a: {  	_ =	shalt  }
0x7b: {  	_ =	shalt  }
0x7c: {  	_ =	shalt  }
0x7d: {  	_ =	shalt  }
0x7e: {  	_ =	shalt  }
0x7f: {  	_ =	shalt  }
0x80: {  	_ =	shalt  }
0x81: {  	_ =	shalt  }
0x82: {  	_ =	shalt  }
0x83: {  	_ =	shalt  }
0x84: {  	_ =	shalt  }
0x85: {  	_ =	shalt  }
0x86: {  	_ =	shalt  }
0x87: {  	_ =	shalt  }
.Lfunc_end0:
.L_simem_size_0:
called_computation.1_lowered:
.L_overlay_start_0:
0x88: {  	s2 =	sld [smem:$0x3FD9]  }
0x89: {  	s3 =	sld [smem:$0x3FFE];
	_ =	sdelay $0x1  }
0x8a: {  	s1 =	srdreg.scid  }
0x8b: {  	s0 =	sand.u32 $0x1, s1  }
0x8c: {  	s17 =	sshll.u32 s0, $0xA;
	s2 =	sadd.s32 s3, s2  }
0x8d: {  	s2 =	sadd.s32 s2, s17  }
0x8e: {  	[smem:$0x3FC2] =	sst s2  }
0x8f: {  	_ = 	snop  }
0x90: {  	s2 =	sld [smem:$0x3FD0];
	(tm) =	ssettm $0x1  }
0x91: {  	s18 =	sld [smem:$0x3FFB];
	_ =	sdelay $0x3  }
0x92: {  	_ =	strace s18  }
0x93: {  	s3 =	sld [smem:$0x3FFC];
	_ =	sdelay $0x3  }
0x94: {  	_ =	strace s3  }
0x95: {  	s3 =	sld [smem:$0x3FFD];
	_ =	sdelay $0x3  }
0x96: {  	_ =	strace s3  }
0x97: {  	_ =	strace $0x8FFFFFFF  }
0x98: {  	s19 =	sld [smem:$0x3FDB];
	_ =	sdelay $0x1  }
0x99: {  	s4 =	simm.s32 $_scs_section_size  }
0x9a: {  	s5 =	simm.s32 $_size__tile_overlayer_lowered;
	s6 =	simm.s32 $_tile_overlayer_lowered  }
0x9b: {  	s22 =	simm.s32 $0x1BFF;
	s21 =	sshll.u32 s6, $0x1;
	s3 =	sadd.s32 s4, s19  }
0x9c: {  	s7 =	simm.s32 $0x0;
	s20 =	sshll.u32 s5, $0x1;
	s5 =	sadd.s32 s21, s3  }
0x9d: {  	[timem:s7], [sflag:s22] =	dma.local [hbm:s5], s20  }
0x9e: {  	_ =	swait.ge [sflag:s22], s20  }
0x9f: {  	s4 =	ssub.s32 $0x0, s20;
	[sflag:s22] =	ssyncset.done $0x0  }
0xa0: {  	[sflag:s22] =	ssyncadd.s32 s4;
	_ =	sdelay $0x1  }
0xa1: {  	s23 =	simm.s32 $0x1B8B  }
0xa2: {  	_ =	swait.ge [sflag:s23], $0x1  }
0xa3: {  	[sflag:s23] =	ssyncset.done $0x0  }
0xa4: {  	s25 =	simm.s32 $0x1B8E;
	s24 =	sld [smem:$0x3FFE];
	[sflag:s23] =	ssyncadd.s32 $0xFFFFFFFF  }
0xa5: {  	s26 =	simm.s32 $execute0_lowered;
	[smem:$0x3FD2] =	sst s25  }
0xa6: {  	s5 =	sshll.u32 s26, $0x1;
	_ =	strace $0x80000046;
	[dreg:$0x1] =	wrdreg $0xFFFFFFFF  }
0xa7: {  	s28 =	simm.s32 $_size_execute0_lowered;
	s3 =	sadd.s32 s3, s5;
	[dreg:$0x0] =	wrdreg $0x0  }
0xa8: {  	s5 =	sshll.u32 s28, $0x1;
	[dreg:$0x2] =	wrdreg s3  }
0xa9: {  	[dreg:$0x3] =	wrdreg s5  }
0xaa: {  	[dreg:$0x4] =	wrdreg $0xC0  }
0xab: {  	_ =	task [dreg:s7], $0x5FFFF  }
0xac: {  	[dreg:$0x1] =	wrdreg $0xFFFFFFFF  }
0xad: {  	[dreg:$0x0] =	wrdreg $0x60  }
0xae: {  	[dreg:$0x2] =	wrdreg s2  }
0xaf: {  	[dreg:$0x3] =	wrdreg s24  }
0xb0: {  	[dreg:$0x4] =	wrdreg $0x9  }
0xb1: {  	_ =	task.clear_ibuf [dreg:s7], $0x5FFFF;
	_ =	strace $0x90000046  }
0xb2: {  	s29 =	simm.s32 $0x9;
	_ =	strace $0x80000048  }
0xb3: {  	_ =	swait.ge [sflag:s29], $0x1  }
0xb4: {  	[sflag:s29] =	ssyncadd.s32 $0xFFFFFFFF  }
0xb5: {  	_ =	strace $0x90000048  }
0xb6: {  	_ =	sfence  }
0xb7: {  	s30 =	sld [smem:$0x0];
	_ =	sdelay $0x2  }
0xb8: {  	s31 =	sshll.u32 s1, $0xD;
	s1 =	sshrl.u32 s1, $0x2  }
0xb9: {  	s3 =	sand.u32 $0x4000, s31;
	s1 =	sadd.s32 s1, s30  }
0xba: {  	s0 =	sor.u32 s3, s0;
	s1 =	sshll.u32 s1, $0x11  }
0xbb: {  	s0 =	sor.u32 s1, s0  }
0xbc: {  	s0 =	sadd.s32 $0x8F2B, s0  }
0xbd: {  	[sflag:s0] =	ssyncadd.remote.s32 $0x1  }
0xbe: {  	_ =	sfence.sel $0xFFFF  }
0xbf: {  	[dreg:$0x0] =	wrdreg $0xFFFFFFFF;
	(pc) =	sbr.abs _section_cstart, $3  }
0xc0: {  	[dreg:$0x1] =	wrdreg $0xFFFFFFFF  }
0xc1: {  	_ =	task.clear_ibuf [dreg:s7], $0x2FFFF;
	_ =	strace $0x9FFFFFFF  }
0xc2: {  	(tm) =	ssettm $0x7FFFFFFF  }
0xc3: {  	_ =	shalt  }
tec
execute0_lowered:
.L_overlay_start_1:
0x0: {  	(tag) =	ssettag $0x1  }
0x1: {  	s0 =	srdreg.scid;
	s1 =	stileid.u32  }
0x2: {  	s4 =	sand.u32 $0x1, s0;
	s5 =	sshll.u32 s1, $0x1  }
0x3: {  	s0 =	sor.u32 s4, s5  }
0x4: {  	s6 =	rddreg [dreg:$0x0];
	s3 =	smul.u32 $0x32000, s0  }
0x5: {  	s5 =	rddreg [dreg:$0x1];
	s0 =	smul.u32 $0x6400, s0  }
0x6: {  	s2 =	simm.s32 $0x0;
	s5 =	sadd.s32 $0x1A1200, s5;
	s3 =	sshrl.u32 s3, $0x3  }
0x7: {  	[smem:$0x7FF] =	sst s2;
	s0 =	sadd.s32 s5, s0;
	s1 =	sadd.s32 s6, s3  }
0x8: {  	_ =	strace $0x80000047;
	[dreg:$0x6] =	wrdreg s0;
	s6 =	sadd.s32 $0xC8000, s1  }
0x9: {  	s7 =	sadd.s32 $0xC8400, s1;
	[dreg:$0x3] =	wrdreg s6  }
0xa: {  	s8 =	sadd.s32 $0xC8800, s1;
	[dreg:$0x4] =	wrdreg s7  }
0xb: {  	s3 =	sadd.s32 s5, s3;
	s9 =	sadd.s32 $0xC8C00, s1;
	[dreg:$0x5] =	wrdreg s8  }
0xc: {  	s10 =	sadd.s32 $0x400, s3;
	[dreg:$0x7] =	wrdreg s9  }
0xd: {  	s11 =	sadd.s32 $0xC9000, s1;
	[dreg:$0x8] =	wrdreg s10  }
0xe: {  	s12 =	sadd.s32 $0x800, s3;
	[dreg:$0x9] =	wrdreg s11  }
0xf: {  	s13 =	sadd.s32 $0xC9400, s1;
	[dreg:$0xa] =	wrdreg s12  }
0x10: {  	s14 =	sadd.s32 $0xC00, s3;
	[dreg:$0xb] =	wrdreg s13  }
0x11: {  	s15 =	sadd.s32 $0xC9800, s1;
	[dreg:$0xc] =	wrdreg s14  }
0x12: {  	s16 =	sadd.s32 $0x1000, s3;
	[dreg:$0xd] =	wrdreg s15  }
0x13: {  	s17 =	sadd.s32 $0xC9C00, s1;
	[dreg:$0xe] =	wrdreg s16  }
0x14: {  	s18 =	sadd.s32 $0x1400, s3;
	[dreg:$0xf] =	wrdreg s17  }
0x15: {  	s19 =	sadd.s32 $0xCA000, s1;
	[dreg:$0x10] =	wrdreg s18  }
0x16: {  	s20 =	sadd.s32 $0x1800, s3;
	[dreg:$0x11] =	wrdreg s19  }
0x17: {  	s21 =	sadd.s32 $0xCA400, s1;
	[dreg:$0x12] =	wrdreg s20  }
0x18: {  	s22 =	sadd.s32 $0x1C00, s3;
	[dreg:$0x13] =	wrdreg s21  }
0x19: {  	s23 =	sadd.s32 $0xCA800, s1;
	[dreg:$0x14] =	wrdreg s22  }
0x1a: {  	p0 =	por $0x0, $0x0;
	s24 =	sadd.s32 $0x2000, s3;
	[dreg:$0x15] =	wrdreg s23  }
0x1b: {  	s31 =	simm.s32 $0x6;
	s25 =	sadd.s32 $0xCAC00, s1;
	[dreg:$0x16] =	wrdreg s24  }
0x1c: {  	s28 =	simm.s32 $0x7;
	s26 =	sadd.s32 $0x2400, s3;
	[dreg:$0x17] =	wrdreg s25  }
0x1d: {  	s4 =	ssub.s32 $0x2, s4;
	s5 =	sadd.s32 $0xCB000, s1;
	[dreg:$0x18] =	wrdreg s26  }
0x1e: {  	s30 =	sadd.s32 $0x3C00, s3;
	s29 =	sadd.s32 $0xCC800, s1;
	[dreg:$0x19] =	wrdreg s5  }
0x1f: {  	s6 =	sadd.s32 $0x2800, s3;
	s7 =	sadd.s32 $0xCB400, s1;
	s8 =	sadd.s32 $0x2C00, s3  }
0x20: {  	s9 =	sadd.s32 $0xCB800, s1;
	s10 =	sadd.s32 $0x3000, s3;
	[dreg:$0x1a] =	wrdreg s6  }
0x21: {  	s11 =	sadd.s32 $0xCBC00, s1;
	s12 =	sadd.s32 $0x3400, s3;
	[dreg:$0x1b] =	wrdreg s7  }
0x22: {  	s13 =	sadd.s32 $0xCC000, s1;
	s14 =	sadd.s32 $0x3800, s3;
	[dreg:$0x1c] =	wrdreg s8  }
0x23: {  	s15 =	sshrl.u32 s4, $0x1;
	s16 =	sadd.s32 $0xCC400, s1;
	[dreg:$0x1d] =	wrdreg s9  }
0x24: {  	s26 =	sadd.s32 $0x4000, s3;
	s25 =	sadd.s32 $0xCCC00, s1;
	[dreg:$0x1e] =	wrdreg s10  }
0x25: {  	s24 =	sadd.s32 $0x4400, s3;
	s23 =	sadd.s32 $0xCD000, s1;
	[dreg:$0x1f] =	wrdreg s11  }
0x26: {  	s22 =	sadd.s32 $0x4800, s3;
	s21 =	sadd.s32 $0xCD400, s1;
	[smem:$0x7FA] =	sst s12  }
0x27: {  	s20 =	sadd.s32 $0x4C00, s3;
	s18 =	sadd.s32 $0xCD800, s1;
	[smem:$0x7FB] =	sst s13  }
0x28: {  	s19 =	simm.s32 $0x2;
	[smem:$0x7FC] =	sst s14;
	s5 =	ssub.s32 s4, s15  }
0x29: {  	[smem:$0x7FD] =	sst s16;
	s14 =	sadd.s32 $0x5000, s3;
	s17 =	smax.u32 s5, $0x1  }
0x2a: {  	s13 =	sadd.s32 $0xCDC00, s1;
	s11 =	sadd.s32 $0x5400, s3;
	p1 =	sne.s32 s17, $0x1  }
.Ltmp0:
0x2b: {  	s8 =	sadd.s32 $0xCE000, s1;
	s7 =	sadd.s32 $0x5800, s3;
	(pc) =	sbr.rel @!p1 .LBB2_3-.Ltmp0, $4  }
0x2c: {  	s4 =	sadd.s32 $0x5C00, s3;
	s3 =	sadd.s32 $0x6000, s3;
	s15 =	simm.s32 $0x2000  }
0x2d: {  	s10 =	simm.s32 $0x4000;
	s6 =	simm.s32 $0x1;
	s9 =	simm.s32 $0x6000  }
0x2e: {  	s16 =	simm.s32 $0x4;
	s12 =	simm.s32 $0x8;
	s0 =	rddreg [dreg:$0x3]  }
0x2f: {  	s5 =	simm.s32 $0x5;
	s1 =	sadd.s32 $0xFFFFFFFF, s17;
	s17 =	simm.s32 $0x3  }
0x30: {  	[smem:$0x7F9] =	sst s1  }
0x31: {  	[tilespmem:s2], [sflag:$0x1] =	stream.linear.gather [hbm4b:s0+s2], $0x2000, $0x38;
	[tilespmem:$0x8000] =	vst v63  }
0x32: {  	s1 =	rddreg [dreg:$0x4]  }
0x33: {  	[tilespmem:s15], [sflag:$0x2] =	stream.linear.gather [hbm4b:s1+s2], $0x2000, $0x38;
	[tilespmem:$0x8000] =	vst v63  }
0x34: {  	s0 =	rddreg [dreg:$0x5]  }
0x35: {  	[tilespmem:s10], [sflag:$0x3] =	stream.linear.gather [hbm4b:s0+s2], $0x2000, $0x38;
	[tilespmem:$0x8000] =	vst v63  }
0x36: {  	_ =	swait.ge [sflag:s6], $0x2000  }
0x37: {  	[sflag:s6] =	ssyncset.done $0x0  }
0x38: {  	s0 =	rddreg [dreg:$0x6];
	[sflag:s6] =	ssyncadd.s32 $0xFFFFE000  }
0x39: {  	[hbm4b:s0+s2] =	stream.linear.scatter [tilespmem:s2], [sflag:$0x5], $0x2000, $0x38;
	[tilespmem:$0x8000] =	vst v63  }
0x3a: {  	s1 =	rddreg [dreg:$0x7]  }
0x3b: {  	[tilespmem:s9], [sflag:$0x4] =	stream.linear.gather [hbm4b:s1+s2], $0x2000, $0x38;
	[tilespmem:$0x8000] =	vst v63  }
0x3c: {  	_ =	swait.ge [sflag:s19], $0x2000  }
0x3d: {  	[sflag:s19] =	ssyncset.done $0x0  }
0x3e: {  	s1 =	rddreg [dreg:$0x8];
	[sflag:s19] =	ssyncadd.s32 $0xFFFFE000  }
0x3f: {  	[hbm4b:s1+s2] =	stream.linear.scatter [tilespmem:s15], [sflag:$0x6], $0x2000, $0x38;
	[tilespmem:$0x8000] =	vst v63  }
0x40: {  	_ =	swait.ge [sflag:s5], $0x2000  }
0x41: {  	[sflag:s5] =	ssyncset.done $0x0  }
0x42: {  	s1 =	rddreg [dreg:$0x9];
	[sflag:s5] =	ssyncadd.s32 $0xFFFFE000  }
0x43: {  	[tilespmem:s2], [sflag:$0x1] =	stream.linear.gather [hbm4b:s1+s2], $0x2000, $0x38;
	[tilespmem:$0x8000] =	vst v63  }
0x44: {  	_ =	swait.ge [sflag:s17], $0x2000  }
0x45: {  	[sflag:s17] =	ssyncset.done $0x0  }
0x46: {  	s1 =	rddreg [dreg:$0xa];
	[sflag:s17] =	ssyncadd.s32 $0xFFFFE000  }
0x47: {  	[hbm4b:s1+s2] =	stream.linear.scatter [tilespmem:s10], [sflag:$0x7], $0x2000, $0x38;
	[tilespmem:$0x8000] =	vst v63  }
0x48: {  	_ =	swait.ge [sflag:s31], $0x2000  }
0x49: {  	[sflag:s31] =	ssyncset.done $0x0  }
0x4a: {  	s1 =	rddreg [dreg:$0xb];
	[sflag:s31] =	ssyncadd.s32 $0xFFFFE000  }
0x4b: {  	[tilespmem:s15], [sflag:$0x2] =	stream.linear.gather [hbm4b:s1+s2], $0x2000, $0x38;
	[tilespmem:$0x8000] =	vst v63  }
0x4c: {  	_ =	swait.ge [sflag:s16], $0x2000  }
0x4d: {  	[sflag:s16] =	ssyncset.done $0x0  }
0x4e: {  	s1 =	rddreg [dreg:$0xc];
	[sflag:s16] =	ssyncadd.s32 $0xFFFFE000  }
0x4f: {  	[hbm4b:s1+s2] =	stream.linear.scatter [tilespmem:s9], [sflag:$0x8], $0x2000, $0x38;
	[tilespmem:$0x8000] =	vst v63  }
0x50: {  	_ =	swait.ge [sflag:s28], $0x2000  }
0x51: {  	[sflag:s28] =	ssyncset.done $0x0  }
0x52: {  	s1 =	rddreg [dreg:$0xd];
	[sflag:s28] =	ssyncadd.s32 $0xFFFFE000  }
0x53: {  	[tilespmem:s10], [sflag:$0x3] =	stream.linear.gather [hbm4b:s1+s2], $0x2000, $0x38;
	[tilespmem:$0x8000] =	vst v63  }
0x54: {  	_ =	swait.ge [sflag:s6], $0x2000  }
0x55: {  	[sflag:s6] =	ssyncset.done $0x0  }
0x56: {  	s1 =	rddreg [dreg:$0xe];
	[sflag:s6] =	ssyncadd.s32 $0xFFFFE000  }
0x57: {  	[hbm4b:s1+s2] =	stream.linear.scatter [tilespmem:s2], [sflag:$0x5], $0x2000, $0x38;
	[tilespmem:$0x8000] =	vst v63  }
0x58: {  	_ =	swait.ge [sflag:s12], $0x2000  }
0x59: {  	[sflag:s12] =	ssyncset.done $0x0  }
0x5a: {  	s1 =	rddreg [dreg:$0xf];
	[sflag:s12] =	ssyncadd.s32 $0xFFFFE000  }
0x5b: {  	[tilespmem:s9], [sflag:$0x4] =	stream.linear.gather [hbm4b:s1+s2], $0x2000, $0x38;
	[tilespmem:$0x8000] =	vst v63  }
0x5c: {  	_ =	swait.ge [sflag:s19], $0x2000  }
0x5d: {  	[sflag:s19] =	ssyncset.done $0x0  }
0x5e: {  	s1 =	rddreg [dreg:$0x10];
	[sflag:s19] =	ssyncadd.s32 $0xFFFFE000  }
0x5f: {  	[hbm4b:s1+s2] =	stream.linear.scatter [tilespmem:s15], [sflag:$0x6], $0x2000, $0x38;
	[tilespmem:$0x8000] =	vst v63  }
0x60: {  	_ =	swait.ge [sflag:s5], $0x2000  }
0x61: {  	[sflag:s5] =	ssyncset.done $0x0  }
0x62: {  	s1 =	rddreg [dreg:$0x11];
	[sflag:s5] =	ssyncadd.s32 $0xFFFFE000  }
0x63: {  	[tilespmem:s2], [sflag:$0x1] =	stream.linear.gather [hbm4b:s1+s2], $0x2000, $0x38;
	[tilespmem:$0x8000] =	vst v63  }
0x64: {  	_ =	swait.ge [sflag:s17], $0x2000  }
0x65: {  	[sflag:s17] =	ssyncset.done $0x0  }
0x66: {  	s1 =	rddreg [dreg:$0x12];
	[sflag:s17] =	ssyncadd.s32 $0xFFFFE000  }
0x67: {  	[hbm4b:s1+s2] =	stream.linear.scatter [tilespmem:s10], [sflag:$0x7], $0x2000, $0x38;
	[tilespmem:$0x8000] =	vst v63  }
0x68: {  	_ =	swait.ge [sflag:s31], $0x2000  }
0x69: {  	[sflag:s31] =	ssyncset.done $0x0  }
0x6a: {  	s1 =	rddreg [dreg:$0x13];
	[sflag:s31] =	ssyncadd.s32 $0xFFFFE000  }
0x6b: {  	[tilespmem:s15], [sflag:$0x2] =	stream.linear.gather [hbm4b:s1+s2], $0x2000, $0x38;
	[tilespmem:$0x8000] =	vst v63  }
0x6c: {  	_ =	swait.ge [sflag:s16], $0x2000  }
0x6d: {  	[sflag:s16] =	ssyncset.done $0x0  }
0x6e: {  	s1 =	rddreg [dreg:$0x14];
	[sflag:s16] =	ssyncadd.s32 $0xFFFFE000  }
0x6f: {  	[hbm4b:s1+s2] =	stream.linear.scatter [tilespmem:s9], [sflag:$0x8], $0x2000, $0x38;
	[tilespmem:$0x8000] =	vst v63  }
0x70: {  	_ =	swait.ge [sflag:s28], $0x2000  }
0x71: {  	[sflag:s28] =	ssyncset.done $0x0  }
0x72: {  	s1 =	rddreg [dreg:$0x15];
	[sflag:s28] =	ssyncadd.s32 $0xFFFFE000  }
0x73: {  	[tilespmem:s10], [sflag:$0x3] =	stream.linear.gather [hbm4b:s1+s2], $0x2000, $0x38;
	[tilespmem:$0x8000] =	vst v63  }
0x74: {  	_ =	swait.ge [sflag:s6], $0x2000  }
0x75: {  	[sflag:s6] =	ssyncset.done $0x0  }
0x76: {  	s1 =	rddreg [dreg:$0x16];
	[sflag:s6] =	ssyncadd.s32 $0xFFFFE000  }
0x77: {  	[hbm4b:s1+s2] =	stream.linear.scatter [tilespmem:s2], [sflag:$0x5], $0x2000, $0x38;
	[tilespmem:$0x8000] =	vst v63  }
0x78: {  	_ =	swait.ge [sflag:s12], $0x2000  }
0x79: {  	[sflag:s12] =	ssyncset.done $0x0  }
0x7a: {  	s1 =	rddreg [dreg:$0x17];
	[sflag:s12] =	ssyncadd.s32 $0xFFFFE000  }
0x7b: {  	[tilespmem:s9], [sflag:$0x4] =	stream.linear.gather [hbm4b:s1+s2], $0x2000, $0x38;
	[tilespmem:$0x8000] =	vst v63  }
0x7c: {  	_ =	swait.ge [sflag:s19], $0x2000  }
0x7d: {  	[sflag:s19] =	ssyncset.done $0x0  }
0x7e: {  	s1 =	rddreg [dreg:$0x18];
	[sflag:s19] =	ssyncadd.s32 $0xFFFFE000  }
0x7f: {  	[hbm4b:s1+s2] =	stream.linear.scatter [tilespmem:s15], [sflag:$0x6], $0x2000, $0x38;
	[tilespmem:$0x8000] =	vst v63  }
0x80: {  	_ =	swait.ge [sflag:s5], $0x2000  }
0x81: {  	[sflag:s5] =	ssyncset.done $0x0  }
0x82: {  	s1 =	rddreg [dreg:$0x19];
	[sflag:s5] =	ssyncadd.s32 $0xFFFFE000  }
0x83: {  	[tilespmem:s2], [sflag:$0x1] =	stream.linear.gather [hbm4b:s1+s2], $0x2000, $0x38;
	[tilespmem:$0x8000] =	vst v63  }
0x84: {  	_ =	swait.ge [sflag:s17], $0x2000  }
0x85: {  	[sflag:s17] =	ssyncset.done $0x0  }
0x86: {  	s1 =	rddreg [dreg:$0x1a];
	[sflag:s17] =	ssyncadd.s32 $0xFFFFE000  }
0x87: {  	[hbm4b:s1+s2] =	stream.linear.scatter [tilespmem:s10], [sflag:$0x7], $0x2000, $0x38;
	[tilespmem:$0x8000] =	vst v63  }
0x88: {  	_ =	swait.ge [sflag:s31], $0x2000  }
0x89: {  	[sflag:s31] =	ssyncset.done $0x0  }
0x8a: {  	s1 =	rddreg [dreg:$0x1b];
	[sflag:s31] =	ssyncadd.s32 $0xFFFFE000  }
0x8b: {  	[tilespmem:s15], [sflag:$0x2] =	stream.linear.gather [hbm4b:s1+s2], $0x2000, $0x38;
	[tilespmem:$0x8000] =	vst v63  }
0x8c: {  	_ =	swait.ge [sflag:s16], $0x2000  }
0x8d: {  	[sflag:s16] =	ssyncset.done $0x0  }
0x8e: {  	s1 =	rddreg [dreg:$0x1c];
	[sflag:s16] =	ssyncadd.s32 $0xFFFFE000  }
0x8f: {  	[hbm4b:s1+s2] =	stream.linear.scatter [tilespmem:s9], [sflag:$0x8], $0x2000, $0x38;
	[tilespmem:$0x8000] =	vst v63  }
0x90: {  	_ =	swait.ge [sflag:s28], $0x2000  }
0x91: {  	[sflag:s28] =	ssyncset.done $0x0  }
0x92: {  	s1 =	rddreg [dreg:$0x1d];
	[sflag:s28] =	ssyncadd.s32 $0xFFFFE000  }
0x93: {  	[tilespmem:s10], [sflag:$0x3] =	stream.linear.gather [hbm4b:s1+s2], $0x2000, $0x38;
	[tilespmem:$0x8000] =	vst v63  }
0x94: {  	_ =	swait.ge [sflag:s6], $0x2000  }
0x95: {  	[sflag:s6] =	ssyncset.done $0x0  }
0x96: {  	s1 =	rddreg [dreg:$0x1e];
	[sflag:s6] =	ssyncadd.s32 $0xFFFFE000  }
0x97: {  	[hbm4b:s1+s2] =	stream.linear.scatter [tilespmem:s2], [sflag:$0x5], $0x2000, $0x38;
	[tilespmem:$0x8000] =	vst v63  }
0x98: {  	_ =	swait.ge [sflag:s12], $0x2000  }
0x99: {  	[sflag:s12] =	ssyncset.done $0x0  }
0x9a: {  	s1 =	rddreg [dreg:$0x1f];
	[sflag:s12] =	ssyncadd.s32 $0xFFFFE000  }
0x9b: {  	[tilespmem:s9], [sflag:$0x4] =	stream.linear.gather [hbm4b:s1+s2], $0x2000, $0x38;
	[tilespmem:$0x8000] =	vst v63  }
0x9c: {  	_ =	swait.ge [sflag:s19], $0x2000  }
0x9d: {  	s1 =	sld [smem:$0x7FA]  }
0x9e: {  	[sflag:s19] =	ssyncset.done $0x0  }
0x9f: {  	[sflag:s19] =	ssyncadd.s32 $0xFFFFE000  }
0xa0: {  	[hbm4b:s1+s2] =	stream.linear.scatter [tilespmem:s15], [sflag:$0x6], $0x2000, $0x38;
	[tilespmem:$0x8000] =	vst v63  }
0xa1: {  	_ =	swait.ge [sflag:s5], $0x2000  }
0xa2: {  	s1 =	sld [smem:$0x7FB]  }
0xa3: {  	[sflag:s5] =	ssyncset.done $0x0  }
0xa4: {  	[sflag:s5] =	ssyncadd.s32 $0xFFFFE000  }
0xa5: {  	[tilespmem:s2], [sflag:$0x1] =	stream.linear.gather [hbm4b:s1+s2], $0x2000, $0x38;
	[tilespmem:$0x8000] =	vst v63  }
0xa6: {  	_ =	swait.ge [sflag:s17], $0x2000  }
0xa7: {  	s1 =	sld [smem:$0x7FC]  }
0xa8: {  	[sflag:s17] =	ssyncset.done $0x0  }
0xa9: {  	[sflag:s17] =	ssyncadd.s32 $0xFFFFE000  }
0xaa: {  	[hbm4b:s1+s2] =	stream.linear.scatter [tilespmem:s10], [sflag:$0x7], $0x2000, $0x38;
	[tilespmem:$0x8000] =	vst v63  }
0xab: {  	_ =	swait.ge [sflag:s31], $0x2000  }
0xac: {  	s1 =	sld [smem:$0x7FD]  }
0xad: {  	[sflag:s31] =	ssyncset.done $0x0  }
0xae: {  	[sflag:s31] =	ssyncadd.s32 $0xFFFFE000  }
0xaf: {  	[tilespmem:s15], [sflag:$0x2] =	stream.linear.gather [hbm4b:s1+s2], $0x2000, $0x38;
	[tilespmem:$0x8000] =	vst v63  }
0xb0: {  	_ =	swait.ge [sflag:s16], $0x2000  }
0xb1: {  	[sflag:s16] =	ssyncset.done $0x0  }
0xb2: {  	[sflag:s16] =	ssyncadd.s32 $0xFFFFE000  }
0xb3: {  	[hbm4b:s30+s2] =	stream.linear.scatter [tilespmem:s9], [sflag:$0x8], $0x2000, $0x38;
	[tilespmem:$0x8000] =	vst v63  }
0xb4: {  	_ =	swait.ge [sflag:s28], $0x2000  }
0xb5: {  	[sflag:s28] =	ssyncset.done $0x0  }
0xb6: {  	[sflag:s28] =	ssyncadd.s32 $0xFFFFE000  }
0xb7: {  	[tilespmem:s10], [sflag:$0x3] =	stream.linear.gather [hbm4b:s29+s2], $0x2000, $0x38;
	[tilespmem:$0x8000] =	vst v63  }
0xb8: {  	_ =	swait.ge [sflag:s6], $0x2000  }
0xb9: {  	[sflag:s6] =	ssyncset.done $0x0  }
0xba: {  	[sflag:s6] =	ssyncadd.s32 $0xFFFFE000  }
0xbb: {  	[hbm4b:s26+s2] =	stream.linear.scatter [tilespmem:s2], [sflag:$0x5], $0x2000, $0x38;
	[tilespmem:$0x8000] =	vst v63  }
0xbc: {  	_ =	swait.ge [sflag:s12], $0x2000  }
0xbd: {  	[sflag:s12] =	ssyncset.done $0x0  }
0xbe: {  	[sflag:s12] =	ssyncadd.s32 $0xFFFFE000  }
0xbf: {  	[tilespmem:s9], [sflag:$0x4] =	stream.linear.gather [hbm4b:s25+s2], $0x2000, $0x38;
	[tilespmem:$0x8000] =	vst v63  }
0xc0: {  	_ =	swait.ge [sflag:s19], $0x2000  }
0xc1: {  	[sflag:s19] =	ssyncset.done $0x0  }
0xc2: {  	[sflag:s19] =	ssyncadd.s32 $0xFFFFE000  }
0xc3: {  	[hbm4b:s24+s2] =	stream.linear.scatter [tilespmem:s15], [sflag:$0x6], $0x2000, $0x38;
	[tilespmem:$0x8000] =	vst v63  }
0xc4: {  	_ =	swait.ge [sflag:s5], $0x2000  }
0xc5: {  	[sflag:s5] =	ssyncset.done $0x0  }
0xc6: {  	[sflag:s5] =	ssyncadd.s32 $0xFFFFE000  }
0xc7: {  	[tilespmem:s2], [sflag:$0x1] =	stream.linear.gather [hbm4b:s23+s2], $0x2000, $0x38;
	[tilespmem:$0x8000] =	vst v63  }
0xc8: {  	_ =	swait.ge [sflag:s17], $0x2000  }
0xc9: {  	[sflag:s17] =	ssyncset.done $0x0  }
0xca: {  	[sflag:s17] =	ssyncadd.s32 $0xFFFFE000  }
0xcb: {  	[hbm4b:s22+s2] =	stream.linear.scatter [tilespmem:s10], [sflag:$0x7], $0x2000, $0x38;
	[tilespmem:$0x8000] =	vst v63  }
0xcc: {  	_ =	swait.ge [sflag:s31], $0x2000  }
0xcd: {  	[sflag:s31] =	ssyncset.done $0x0  }
0xce: {  	[sflag:s31] =	ssyncadd.s32 $0xFFFFE000  }
0xcf: {  	[tilespmem:s15], [sflag:$0x2] =	stream.linear.gather [hbm4b:s21+s2], $0x2000, $0x38;
	[tilespmem:$0x8000] =	vst v63  }
0xd0: {  	_ =	swait.ge [sflag:s16], $0x2000  }
0xd1: {  	[sflag:s16] =	ssyncset.done $0x0  }
0xd2: {  	[sflag:s16] =	ssyncadd.s32 $0xFFFFE000  }
0xd3: {  	[hbm4b:s20+s2] =	stream.linear.scatter [tilespmem:s9], [sflag:$0x8], $0x2000, $0x38;
	[tilespmem:$0x8000] =	vst v63  }
0xd4: {  	_ =	swait.ge [sflag:s28], $0x2000  }
0xd5: {  	[sflag:s28] =	ssyncset.done $0x0  }
0xd6: {  	[sflag:s28] =	ssyncadd.s32 $0xFFFFE000  }
0xd7: {  	[tilespmem:s10], [sflag:$0x3] =	stream.linear.gather [hbm4b:s18+s2], $0x2000, $0x38;
	[tilespmem:$0x8000] =	vst v63  }
0xd8: {  	_ =	swait.ge [sflag:s6], $0x2000  }
0xd9: {  	[sflag:s6] =	ssyncset.done $0x0  }
0xda: {  	[sflag:s6] =	ssyncadd.s32 $0xFFFFE000  }
0xdb: {  	[hbm4b:s14+s2] =	stream.linear.scatter [tilespmem:s2], [sflag:$0x5], $0x2000, $0x38;
	[tilespmem:$0x8000] =	vst v63  }
0xdc: {  	_ =	swait.ge [sflag:s12], $0x2000  }
0xdd: {  	[sflag:s12] =	ssyncset.done $0x0  }
0xde: {  	[sflag:s12] =	ssyncadd.s32 $0xFFFFE000  }
0xdf: {  	[tilespmem:s9], [sflag:$0x4] =	stream.linear.gather [hbm4b:s13+s2], $0x2000, $0x38;
	[tilespmem:$0x8000] =	vst v63  }
0xe0: {  	_ =	swait.ge [sflag:s19], $0x2000  }
0xe1: {  	[sflag:s19] =	ssyncset.done $0x0  }
0xe2: {  	[sflag:s19] =	ssyncadd.s32 $0xFFFFE000  }
0xe3: {  	[hbm4b:s11+s2] =	stream.linear.scatter [tilespmem:s15], [sflag:$0x6], $0x2000, $0x38;
	[tilespmem:$0x8000] =	vst v63  }
0xe4: {  	_ =	swait.ge [sflag:s5], $0x2000  }
0xe5: {  	[sflag:s5] =	ssyncset.done $0x0  }
0xe6: {  	[sflag:s5] =	ssyncadd.s32 $0xFFFFE000  }
0xe7: {  	[tilespmem:s2], [sflag:$0x1] =	stream.linear.gather [hbm4b:s8+s2], $0x2000, $0x38;
	[tilespmem:$0x8000] =	vst v63  }
0xe8: {  	_ =	swait.ge [sflag:s17], $0x2000  }
0xe9: {  	[sflag:s17] =	ssyncset.done $0x0  }
0xea: {  	[sflag:s17] =	ssyncadd.s32 $0xFFFFE000  }
0xeb: {  	[hbm4b:s7+s2] =	stream.linear.scatter [tilespmem:s10], [sflag:$0x7], $0x2000, $0x38;
	[tilespmem:$0x8000] =	vst v63  }
0xec: {  	_ =	swait.ge [sflag:s16], $0x2000  }
0xed: {  	[sflag:s16] =	ssyncset.done $0x0  }
0xee: {  	[sflag:s16] =	ssyncadd.s32 $0xFFFFE000  }
0xef: {  	[hbm4b:s4+s2] =	stream.linear.scatter [tilespmem:s9], [sflag:$0x8], $0x2000, $0x38;
	[tilespmem:$0x8000] =	vst v63  }
0xf0: {  	_ =	swait.ge [sflag:s6], $0x2000  }
0xf1: {  	[sflag:s6] =	ssyncset.done $0x0  }
0xf2: {  	[sflag:s6] =	ssyncadd.s32 $0xFFFFE000  }
0xf3: {  	[hbm4b:s3+s2] =	stream.linear.scatter [tilespmem:s2], [sflag:$0x5], $0x2000, $0x38;
	[tilespmem:$0x8000] =	vst v63  }
0xf4: {  	_ =	swait.ge [sflag:s12], $0x2000  }
0xf5: {  	s1 =	sld [smem:$0x7F9];
	_ =	sdelay $0x2  }
0xf6: {  	p1 =	sne.s32 s1, $0x1  }
.Ltmp1:
0xf7: {  	_ = 	snop;
	(pc) =	sbr.rel @!p1 .LBB2_3-.Ltmp1, $4  }
0xf8: {  	[sflag:s12] =	ssyncset.done $0x0  }
0xf9: {  	[sflag:s12] =	ssyncadd.s32 $0xFFFFE000  }
0xfa: {  	p0 =	por $0x1, $0x1;
	_ =	swait.ge [sflag:s5], $0x2000  }
0xfb: {  	s1 =	sadd.s32 $0xFFFFFFFF, s1;
	s0 =	rddreg [dreg:$0x3];
	[sflag:s5] =	ssyncset.done $0x0  }
.LBB2_2:
0xfc: {  	[sflag:s5] =	ssyncadd.s32 $0xFFFFE000;
	s28 =	simm.s32 $0x2000  }
0xfd: {  	s9 =	smov.u32 s30;
	s30 =	smov.u32 s29;
	s29 =	smov.u32 s26  }
0xfe: {  	s26 =	smov.u32 s25;
	s25 =	smov.u32 s24;
	s24 =	smov.u32 s23  }
0xff: {  	s23 =	smov.u32 s22;
	s22 =	smov.u32 s21;
	s21 =	smov.u32 s20  }
0x100: {  	s20 =	smov.u32 s18;
	s18 =	smov.u32 s14;
	s14 =	smov.u32 s13  }
0x101: {  	s13 =	smov.u32 s11;
	s11 =	smov.u32 s8;
	s8 =	smov.u32 s7  }
0x102: {  	[tilespmem:s2], [sflag:$0x1] =	stream.linear.gather [hbm4b:s0+s2], $0x2000, $0x38;
	[tilespmem:$0x8000] =	vst v63  }
0x103: {  	s7 =	smov.u32 s4;
	s4 =	smov.u32 s3;
	s3 =	rddreg [dreg:$0x4]  }
0x104: {  	[tilespmem:s28], [sflag:$0x2] =	stream.linear.gather [hbm4b:s3+s2], $0x2000, $0x38;
	[tilespmem:$0x8000] =	vst v63  }
0x105: {  	s15 =	simm.s32 $0x4000;
	s0 =	rddreg [dreg:$0x5]  }
0x106: {  	[tilespmem:s15], [sflag:$0x3] =	stream.linear.gather [hbm4b:s0+s2], $0x2000, $0x38;
	[tilespmem:$0x8000] =	vst v63  }
0x107: {  	_ =	swait.ge [sflag:s6], $0x2000  }
0x108: {  	[sflag:s6] =	ssyncset.done $0x0  }
0x109: {  	s0 =	rddreg [dreg:$0x6];
	[sflag:s6] =	ssyncadd.s32 $0xFFFFE000  }
0x10a: {  	[hbm4b:s0+s2] =	stream.linear.scatter [tilespmem:s2], [sflag:$0x5], $0x2000, $0x38;
	[tilespmem:$0x8000] =	vst v63  }
0x10b: {  	s10 =	simm.s32 $0x6000;
	s3 =	rddreg [dreg:$0x7]  }
0x10c: {  	[tilespmem:s10], [sflag:$0x4] =	stream.linear.gather [hbm4b:s3+s2], $0x2000, $0x38;
	[tilespmem:$0x8000] =	vst v63  }
0x10d: {  	_ =	swait.ge [sflag:s19], $0x2000  }
0x10e: {  	[sflag:s19] =	ssyncset.done $0x0  }
0x10f: {  	s15 =	simm.s32 $0x2000;
	s0 =	rddreg [dreg:$0x8];
	[sflag:s19] =	ssyncadd.s32 $0xFFFFE000  }
0x110: {  	[hbm4b:s0+s2] =	stream.linear.scatter [tilespmem:s15], [sflag:$0x6], $0x2000, $0x38;
	[tilespmem:$0x8000] =	vst v63  }
0x111: {  	s28 =	simm.s32 $0x7;
	s10 =	simm.s32 $0x4000;
	_ =	swait.ge [sflag:s5], $0x2000  }
0x112: {  	s3 =	smov.u32 s4;
	s4 =	smov.u32 s7;
	[sflag:s5] =	ssyncset.done $0x0  }
0x113: {  	s7 =	smov.u32 s8;
	s0 =	rddreg [dreg:$0x9];
	[sflag:s5] =	ssyncadd.s32 $0xFFFFE000  }
0x114: {  	[tilespmem:s2], [sflag:$0x1] =	stream.linear.gather [hbm4b:s0+s2], $0x2000, $0x38;
	[tilespmem:$0x8000] =	vst v63  }
0x115: {  	s8 =	smov.u32 s11;
	s11 =	smov.u32 s13;
	_ =	swait.ge [sflag:s17], $0x2000  }
0x116: {  	s13 =	smov.u32 s14;
	s14 =	smov.u32 s18;
	[sflag:s17] =	ssyncset.done $0x0  }
0x117: {  	s18 =	smov.u32 s20;
	s0 =	rddreg [dreg:$0xa];
	[sflag:s17] =	ssyncadd.s32 $0xFFFFE000  }
0x118: {  	[hbm4b:s0+s2] =	stream.linear.scatter [tilespmem:s10], [sflag:$0x7], $0x2000, $0x38;
	[tilespmem:$0x8000] =	vst v63  }
0x119: {  	s20 =	smov.u32 s21;
	s21 =	smov.u32 s22;
	_ =	swait.ge [sflag:s31], $0x2000  }
0x11a: {  	s22 =	smov.u32 s23;
	s23 =	smov.u32 s24;
	[sflag:s31] =	ssyncset.done $0x0  }
0x11b: {  	s24 =	smov.u32 s25;
	s0 =	rddreg [dreg:$0xb];
	[sflag:s31] =	ssyncadd.s32 $0xFFFFE000  }
0x11c: {  	[tilespmem:s15], [sflag:$0x2] =	stream.linear.gather [hbm4b:s0+s2], $0x2000, $0x38;
	[tilespmem:$0x8000] =	vst v63  }
0x11d: {  	s25 =	smov.u32 s26;
	s26 =	smov.u32 s29;
	_ =	swait.ge [sflag:s16], $0x2000  }
0x11e: {  	s29 =	smov.u32 s30;
	s30 =	smov.u32 s9;
	[sflag:s16] =	ssyncset.done $0x0  }
0x11f: {  	s9 =	simm.s32 $0x6000;
	s0 =	rddreg [dreg:$0xc];
	[sflag:s16] =	ssyncadd.s32 $0xFFFFE000  }
0x120: {  	[hbm4b:s0+s2] =	stream.linear.scatter [tilespmem:s9], [sflag:$0x8], $0x2000, $0x38;
	[tilespmem:$0x8000] =	vst v63  }
0x121: {  	_ =	swait.ge [sflag:s28], $0x2000  }
0x122: {  	[sflag:s28] =	ssyncset.done $0x0  }
0x123: {  	s0 =	rddreg [dreg:$0xd];
	[sflag:s28] =	ssyncadd.s32 $0xFFFFE000  }
0x124: {  	[tilespmem:s10], [sflag:$0x3] =	stream.linear.gather [hbm4b:s0+s2], $0x2000, $0x38;
	[tilespmem:$0x8000] =	vst v63  }
0x125: {  	_ =	swait.ge [sflag:s6], $0x2000  }
0x126: {  	[sflag:s6] =	ssyncset.done $0x0  }
0x127: {  	s0 =	rddreg [dreg:$0xe];
	[sflag:s6] =	ssyncadd.s32 $0xFFFFE000  }
0x128: {  	[hbm4b:s0+s2] =	stream.linear.scatter [tilespmem:s2], [sflag:$0x5], $0x2000, $0x38;
	[tilespmem:$0x8000] =	vst v63  }
0x129: {  	_ =	swait.ge [sflag:s12], $0x2000  }
0x12a: {  	[sflag:s12] =	ssyncset.done $0x0  }
0x12b: {  	s0 =	rddreg [dreg:$0xf];
	[sflag:s12] =	ssyncadd.s32 $0xFFFFE000  }
0x12c: {  	[tilespmem:s9], [sflag:$0x4] =	stream.linear.gather [hbm4b:s0+s2], $0x2000, $0x38;
	[tilespmem:$0x8000] =	vst v63  }
0x12d: {  	_ =	swait.ge [sflag:s19], $0x2000  }
0x12e: {  	[sflag:s19] =	ssyncset.done $0x0  }
0x12f: {  	s0 =	rddreg [dreg:$0x10];
	[sflag:s19] =	ssyncadd.s32 $0xFFFFE000  }
0x130: {  	[hbm4b:s0+s2] =	stream.linear.scatter [tilespmem:s15], [sflag:$0x6], $0x2000, $0x38;
	[tilespmem:$0x8000] =	vst v63  }
0x131: {  	_ =	swait.ge [sflag:s5], $0x2000  }
0x132: {  	[sflag:s5] =	ssyncset.done $0x0  }
0x133: {  	s0 =	rddreg [dreg:$0x11];
	[sflag:s5] =	ssyncadd.s32 $0xFFFFE000  }
0x134: {  	[tilespmem:s2], [sflag:$0x1] =	stream.linear.gather [hbm4b:s0+s2], $0x2000, $0x38;
	[tilespmem:$0x8000] =	vst v63  }
0x135: {  	_ =	swait.ge [sflag:s17], $0x2000  }
0x136: {  	[sflag:s17] =	ssyncset.done $0x0  }
0x137: {  	s0 =	rddreg [dreg:$0x12];
	[sflag:s17] =	ssyncadd.s32 $0xFFFFE000  }
0x138: {  	[hbm4b:s0+s2] =	stream.linear.scatter [tilespmem:s10], [sflag:$0x7], $0x2000, $0x38;
	[tilespmem:$0x8000] =	vst v63  }
0x139: {  	_ =	swait.ge [sflag:s31], $0x2000  }
0x13a: {  	[sflag:s31] =	ssyncset.done $0x0  }
0x13b: {  	s0 =	rddreg [dreg:$0x13];
	[sflag:s31] =	ssyncadd.s32 $0xFFFFE000  }
0x13c: {  	[tilespmem:s15], [sflag:$0x2] =	stream.linear.gather [hbm4b:s0+s2], $0x2000, $0x38;
	[tilespmem:$0x8000] =	vst v63  }
0x13d: {  	_ =	swait.ge [sflag:s16], $0x2000  }
0x13e: {  	[sflag:s16] =	ssyncset.done $0x0  }
0x13f: {  	s0 =	rddreg [dreg:$0x14];
	[sflag:s16] =	ssyncadd.s32 $0xFFFFE000  }
0x140: {  	[hbm4b:s0+s2] =	stream.linear.scatter [tilespmem:s9], [sflag:$0x8], $0x2000, $0x38;
	[tilespmem:$0x8000] =	vst v63  }
0x141: {  	_ =	swait.ge [sflag:s28], $0x2000  }
0x142: {  	[sflag:s28] =	ssyncset.done $0x0  }
0x143: {  	s0 =	rddreg [dreg:$0x15];
	[sflag:s28] =	ssyncadd.s32 $0xFFFFE000  }
0x144: {  	[tilespmem:s10], [sflag:$0x3] =	stream.linear.gather [hbm4b:s0+s2], $0x2000, $0x38;
	[tilespmem:$0x8000] =	vst v63  }
0x145: {  	_ =	swait.ge [sflag:s6], $0x2000  }
0x146: {  	[sflag:s6] =	ssyncset.done $0x0  }
0x147: {  	s0 =	rddreg [dreg:$0x16];
	[sflag:s6] =	ssyncadd.s32 $0xFFFFE000  }
0x148: {  	[hbm4b:s0+s2] =	stream.linear.scatter [tilespmem:s2], [sflag:$0x5], $0x2000, $0x38;
	[tilespmem:$0x8000] =	vst v63  }
0x149: {  	_ =	swait.ge [sflag:s12], $0x2000  }
0x14a: {  	[sflag:s12] =	ssyncset.done $0x0  }
0x14b: {  	s0 =	rddreg [dreg:$0x17];
	[sflag:s12] =	ssyncadd.s32 $0xFFFFE000  }
0x14c: {  	[tilespmem:s9], [sflag:$0x4] =	stream.linear.gather [hbm4b:s0+s2], $0x2000, $0x38;
	[tilespmem:$0x8000] =	vst v63  }
0x14d: {  	_ =	swait.ge [sflag:s19], $0x2000  }
0x14e: {  	[sflag:s19] =	ssyncset.done $0x0  }
0x14f: {  	s0 =	rddreg [dreg:$0x18];
	[sflag:s19] =	ssyncadd.s32 $0xFFFFE000  }
0x150: {  	[hbm4b:s0+s2] =	stream.linear.scatter [tilespmem:s15], [sflag:$0x6], $0x2000, $0x38;
	[tilespmem:$0x8000] =	vst v63  }
0x151: {  	_ =	swait.ge [sflag:s5], $0x2000  }
0x152: {  	[sflag:s5] =	ssyncset.done $0x0  }
0x153: {  	s0 =	rddreg [dreg:$0x19];
	[sflag:s5] =	ssyncadd.s32 $0xFFFFE000  }
0x154: {  	[tilespmem:s2], [sflag:$0x1] =	stream.linear.gather [hbm4b:s0+s2], $0x2000, $0x38;
	[tilespmem:$0x8000] =	vst v63  }
0x155: {  	_ =	swait.ge [sflag:s17], $0x2000  }
0x156: {  	[sflag:s17] =	ssyncset.done $0x0  }
0x157: {  	s0 =	rddreg [dreg:$0x1a];
	[sflag:s17] =	ssyncadd.s32 $0xFFFFE000  }
0x158: {  	[hbm4b:s0+s2] =	stream.linear.scatter [tilespmem:s10], [sflag:$0x7], $0x2000, $0x38;
	[tilespmem:$0x8000] =	vst v63  }
0x159: {  	_ =	swait.ge [sflag:s31], $0x2000  }
0x15a: {  	[sflag:s31] =	ssyncset.done $0x0  }
0x15b: {  	s0 =	rddreg [dreg:$0x1b];
	[sflag:s31] =	ssyncadd.s32 $0xFFFFE000  }
0x15c: {  	[tilespmem:s15], [sflag:$0x2] =	stream.linear.gather [hbm4b:s0+s2], $0x2000, $0x38;
	[tilespmem:$0x8000] =	vst v63  }
0x15d: {  	_ =	swait.ge [sflag:s16], $0x2000  }
0x15e: {  	[sflag:s16] =	ssyncset.done $0x0  }
0x15f: {  	s0 =	rddreg [dreg:$0x1c];
	[sflag:s16] =	ssyncadd.s32 $0xFFFFE000  }
0x160: {  	[hbm4b:s0+s2] =	stream.linear.scatter [tilespmem:s9], [sflag:$0x8], $0x2000, $0x38;
	[tilespmem:$0x8000] =	vst v63  }
0x161: {  	_ =	swait.ge [sflag:s28], $0x2000  }
0x162: {  	[sflag:s28] =	ssyncset.done $0x0  }
0x163: {  	s0 =	rddreg [dreg:$0x1d];
	[sflag:s28] =	ssyncadd.s32 $0xFFFFE000  }
0x164: {  	[tilespmem:s10], [sflag:$0x3] =	stream.linear.gather [hbm4b:s0+s2], $0x2000, $0x38;
	[tilespmem:$0x8000] =	vst v63  }
0x165: {  	_ =	swait.ge [sflag:s6], $0x2000  }
0x166: {  	[sflag:s6] =	ssyncset.done $0x0  }
0x167: {  	s0 =	rddreg [dreg:$0x1e];
	[sflag:s6] =	ssyncadd.s32 $0xFFFFE000  }
0x168: {  	[hbm4b:s0+s2] =	stream.linear.scatter [tilespmem:s2], [sflag:$0x5], $0x2000, $0x38;
	[tilespmem:$0x8000] =	vst v63  }
0x169: {  	_ =	swait.ge [sflag:s12], $0x2000  }
0x16a: {  	[sflag:s12] =	ssyncset.done $0x0  }
0x16b: {  	s0 =	rddreg [dreg:$0x1f];
	[sflag:s12] =	ssyncadd.s32 $0xFFFFE000  }
0x16c: {  	[tilespmem:s9], [sflag:$0x4] =	stream.linear.gather [hbm4b:s0+s2], $0x2000, $0x38;
	[tilespmem:$0x8000] =	vst v63  }
0x16d: {  	_ =	swait.ge [sflag:s19], $0x2000  }
0x16e: {  	s0 =	sld [smem:$0x7FA]  }
0x16f: {  	[sflag:s19] =	ssyncset.done $0x0  }
0x170: {  	[sflag:s19] =	ssyncadd.s32 $0xFFFFE000  }
0x171: {  	[hbm4b:s0+s2] =	stream.linear.scatter [tilespmem:s15], [sflag:$0x6], $0x2000, $0x38;
	[tilespmem:$0x8000] =	vst v63  }
0x172: {  	_ =	swait.ge [sflag:s5], $0x2000  }
0x173: {  	s0 =	sld [smem:$0x7FB]  }
0x174: {  	[sflag:s5] =	ssyncset.done $0x0  }
0x175: {  	[sflag:s5] =	ssyncadd.s32 $0xFFFFE000  }
0x176: {  	[tilespmem:s2], [sflag:$0x1] =	stream.linear.gather [hbm4b:s0+s2], $0x2000, $0x38;
	[tilespmem:$0x8000] =	vst v63  }
0x177: {  	_ =	swait.ge [sflag:s17], $0x2000  }
0x178: {  	s0 =	sld [smem:$0x7FC]  }
0x179: {  	[sflag:s17] =	ssyncset.done $0x0  }
0x17a: {  	[sflag:s17] =	ssyncadd.s32 $0xFFFFE000  }
0x17b: {  	[hbm4b:s0+s2] =	stream.linear.scatter [tilespmem:s10], [sflag:$0x7], $0x2000, $0x38;
	[tilespmem:$0x8000] =	vst v63  }
0x17c: {  	_ =	swait.ge [sflag:s31], $0x2000  }
0x17d: {  	s0 =	sld [smem:$0x7FD]  }
0x17e: {  	[sflag:s31] =	ssyncset.done $0x0  }
0x17f: {  	[sflag:s31] =	ssyncadd.s32 $0xFFFFE000  }
0x180: {  	[tilespmem:s15], [sflag:$0x2] =	stream.linear.gather [hbm4b:s0+s2], $0x2000, $0x38;
	[tilespmem:$0x8000] =	vst v63  }
0x181: {  	_ =	swait.ge [sflag:s16], $0x2000  }
0x182: {  	[sflag:s16] =	ssyncset.done $0x0  }
0x183: {  	[sflag:s16] =	ssyncadd.s32 $0xFFFFE000  }
0x184: {  	[hbm4b:s30+s2] =	stream.linear.scatter [tilespmem:s9], [sflag:$0x8], $0x2000, $0x38;
	[tilespmem:$0x8000] =	vst v63  }
0x185: {  	_ =	swait.ge [sflag:s28], $0x2000  }
0x186: {  	[sflag:s28] =	ssyncset.done $0x0  }
0x187: {  	[sflag:s28] =	ssyncadd.s32 $0xFFFFE000  }
0x188: {  	[tilespmem:s10], [sflag:$0x3] =	stream.linear.gather [hbm4b:s29+s2], $0x2000, $0x38;
	[tilespmem:$0x8000] =	vst v63  }
0x189: {  	_ =	swait.ge [sflag:s6], $0x2000  }
0x18a: {  	[sflag:s6] =	ssyncset.done $0x0  }
0x18b: {  	[sflag:s6] =	ssyncadd.s32 $0xFFFFE000  }
0x18c: {  	[hbm4b:s26+s2] =	stream.linear.scatter [tilespmem:s2], [sflag:$0x5], $0x2000, $0x38;
	[tilespmem:$0x8000] =	vst v63  }
0x18d: {  	_ =	swait.ge [sflag:s12], $0x2000  }
0x18e: {  	[sflag:s12] =	ssyncset.done $0x0  }
0x18f: {  	[sflag:s12] =	ssyncadd.s32 $0xFFFFE000  }
0x190: {  	[tilespmem:s9], [sflag:$0x4] =	stream.linear.gather [hbm4b:s25+s2], $0x2000, $0x38;
	[tilespmem:$0x8000] =	vst v63  }
0x191: {  	_ =	swait.ge [sflag:s19], $0x2000  }
0x192: {  	[sflag:s19] =	ssyncset.done $0x0  }
0x193: {  	[sflag:s19] =	ssyncadd.s32 $0xFFFFE000  }
0x194: {  	[hbm4b:s24+s2] =	stream.linear.scatter [tilespmem:s15], [sflag:$0x6], $0x2000, $0x38;
	[tilespmem:$0x8000] =	vst v63  }
0x195: {  	_ =	swait.ge [sflag:s5], $0x2000  }
0x196: {  	[sflag:s5] =	ssyncset.done $0x0  }
0x197: {  	[sflag:s5] =	ssyncadd.s32 $0xFFFFE000  }
0x198: {  	[tilespmem:s2], [sflag:$0x1] =	stream.linear.gather [hbm4b:s23+s2], $0x2000, $0x38;
	[tilespmem:$0x8000] =	vst v63  }
0x199: {  	_ =	swait.ge [sflag:s17], $0x2000  }
0x19a: {  	[sflag:s17] =	ssyncset.done $0x0  }
0x19b: {  	[sflag:s17] =	ssyncadd.s32 $0xFFFFE000  }
0x19c: {  	[hbm4b:s22+s2] =	stream.linear.scatter [tilespmem:s10], [sflag:$0x7], $0x2000, $0x38;
	[tilespmem:$0x8000] =	vst v63  }
0x19d: {  	_ =	swait.ge [sflag:s31], $0x2000  }
0x19e: {  	[sflag:s31] =	ssyncset.done $0x0  }
0x19f: {  	[sflag:s31] =	ssyncadd.s32 $0xFFFFE000  }
0x1a0: {  	[tilespmem:s15], [sflag:$0x2] =	stream.linear.gather [hbm4b:s21+s2], $0x2000, $0x38;
	[tilespmem:$0x8000] =	vst v63  }
0x1a1: {  	_ =	swait.ge [sflag:s16], $0x2000  }
0x1a2: {  	[sflag:s16] =	ssyncset.done $0x0  }
0x1a3: {  	[sflag:s16] =	ssyncadd.s32 $0xFFFFE000  }
0x1a4: {  	[hbm4b:s20+s2] =	stream.linear.scatter [tilespmem:s9], [sflag:$0x8], $0x2000, $0x38;
	[tilespmem:$0x8000] =	vst v63  }
0x1a5: {  	_ =	swait.ge [sflag:s28], $0x2000  }
0x1a6: {  	[sflag:s28] =	ssyncset.done $0x0  }
0x1a7: {  	[sflag:s28] =	ssyncadd.s32 $0xFFFFE000  }
0x1a8: {  	[tilespmem:s10], [sflag:$0x3] =	stream.linear.gather [hbm4b:s18+s2], $0x2000, $0x38;
	[tilespmem:$0x8000] =	vst v63  }
0x1a9: {  	_ =	swait.ge [sflag:s6], $0x2000  }
0x1aa: {  	[sflag:s6] =	ssyncset.done $0x0  }
0x1ab: {  	[sflag:s6] =	ssyncadd.s32 $0xFFFFE000  }
0x1ac: {  	[hbm4b:s14+s2] =	stream.linear.scatter [tilespmem:s2], [sflag:$0x5], $0x2000, $0x38;
	[tilespmem:$0x8000] =	vst v63  }
0x1ad: {  	_ =	swait.ge [sflag:s12], $0x2000  }
0x1ae: {  	[sflag:s12] =	ssyncset.done $0x0  }
0x1af: {  	[sflag:s12] =	ssyncadd.s32 $0xFFFFE000  }
0x1b0: {  	[tilespmem:s9], [sflag:$0x4] =	stream.linear.gather [hbm4b:s13+s2], $0x2000, $0x38;
	[tilespmem:$0x8000] =	vst v63  }
0x1b1: {  	_ =	swait.ge [sflag:s19], $0x2000  }
0x1b2: {  	[sflag:s19] =	ssyncset.done $0x0  }
0x1b3: {  	[sflag:s19] =	ssyncadd.s32 $0xFFFFE000  }
0x1b4: {  	[hbm4b:s11+s2] =	stream.linear.scatter [tilespmem:s15], [sflag:$0x6], $0x2000, $0x38;
	[tilespmem:$0x8000] =	vst v63  }
0x1b5: {  	_ =	swait.ge [sflag:s5], $0x2000  }
0x1b6: {  	[sflag:s5] =	ssyncset.done $0x0  }
0x1b7: {  	[sflag:s5] =	ssyncadd.s32 $0xFFFFE000  }
0x1b8: {  	[tilespmem:s2], [sflag:$0x1] =	stream.linear.gather [hbm4b:s8+s2], $0x2000, $0x38;
	[tilespmem:$0x8000] =	vst v63  }
0x1b9: {  	_ =	swait.ge [sflag:s17], $0x2000  }
0x1ba: {  	[sflag:s17] =	ssyncset.done $0x0  }
0x1bb: {  	[sflag:s17] =	ssyncadd.s32 $0xFFFFE000  }
0x1bc: {  	[hbm4b:s7+s2] =	stream.linear.scatter [tilespmem:s10], [sflag:$0x7], $0x2000, $0x38;
	[tilespmem:$0x8000] =	vst v63  }
0x1bd: {  	_ =	swait.ge [sflag:s16], $0x2000  }
0x1be: {  	[sflag:s16] =	ssyncset.done $0x0  }
0x1bf: {  	[sflag:s16] =	ssyncadd.s32 $0xFFFFE000  }
0x1c0: {  	[hbm4b:s4+s2] =	stream.linear.scatter [tilespmem:s9], [sflag:$0x8], $0x2000, $0x38;
	[tilespmem:$0x8000] =	vst v63  }
0x1c1: {  	_ =	swait.ge [sflag:s6], $0x2000  }
0x1c2: {  	[sflag:s6] =	ssyncset.done $0x0  }
0x1c3: {  	p1 =	sne.s32 s1, $0x1;
	[sflag:s6] =	ssyncadd.s32 $0xFFFFE000  }
0x1c4: {  	[hbm4b:s3+s2] =	stream.linear.scatter [tilespmem:s2], [sflag:$0x5], $0x2000, $0x38;
	[tilespmem:$0x8000] =	vst v63  }
.Ltmp2:
0x1c5: {  	_ =	swait.ge [sflag:s12], $0x2000;
	(pc) =	sbr.rel @p1 .LBB2_2-.Ltmp2, $4  }
0x1c6: {  	[sflag:s12] =	ssyncset.done $0x0  }
0x1c7: {  	[sflag:s12] =	ssyncadd.s32 $0xFFFFE000  }
0x1c8: {  	_ =	swait.ge [sflag:s5], $0x2000  }
0x1c9: {  	s1 =	sadd.s32 $0xFFFFFFFF, s1;
	s0 =	rddreg [dreg:$0x3];
	[sflag:s5] =	ssyncset.done $0x0  }
.LBB2_3:
0x1ca: {  	[sflag:s5] =	ssyncadd.s32 @p0 $0xFFFFE000  }
0x1cb: {  	[tilespmem:s2], [sflag:$0x1] =	stream.linear.gather [hbm4b:s0+s2], $0x2000, $0x38;
	[tilespmem:$0x8000] =	vst v63  }
0x1cc: {  	s1 =	rddreg [dreg:$0x4]  }
0x1cd: {  	[tilespmem:s15], [sflag:$0x2] =	stream.linear.gather [hbm4b:s1+s2], $0x2000, $0x38;
	[tilespmem:$0x8000] =	vst v63  }
0x1ce: {  	s0 =	rddreg [dreg:$0x5]  }
0x1cf: {  	[tilespmem:s10], [sflag:$0x3] =	stream.linear.gather [hbm4b:s0+s2], $0x2000, $0x38;
	[tilespmem:$0x8000] =	vst v63  }
0x1d0: {  	_ =	swait.ge [sflag:s6], $0x2000  }
0x1d1: {  	[sflag:s6] =	ssyncset.done $0x0  }
0x1d2: {  	s0 =	rddreg [dreg:$0x6];
	[sflag:s6] =	ssyncadd.s32 $0xFFFFE000  }
0x1d3: {  	[hbm4b:s0+s2] =	stream.linear.scatter [tilespmem:s2], [sflag:$0x5], $0x2000, $0x38;
	[tilespmem:$0x8000] =	vst v63  }
0x1d4: {  	s1 =	rddreg [dreg:$0x7]  }
0x1d5: {  	[tilespmem:s9], [sflag:$0x4] =	stream.linear.gather [hbm4b:s1+s2], $0x2000, $0x38;
	[tilespmem:$0x8000] =	vst v63  }
0x1d6: {  	_ =	swait.ge [sflag:s19], $0x2000  }
0x1d7: {  	[sflag:s19] =	ssyncset.done $0x0  }
0x1d8: {  	s1 =	rddreg [dreg:$0x8];
	[sflag:s19] =	ssyncadd.s32 $0xFFFFE000  }
0x1d9: {  	[hbm4b:s1+s2] =	stream.linear.scatter [tilespmem:s15], [sflag:$0x6], $0x2000, $0x38;
	[tilespmem:$0x8000] =	vst v63  }
0x1da: {  	_ =	swait.ge [sflag:s5], $0x2000  }
0x1db: {  	[sflag:s5] =	ssyncset.done $0x0  }
0x1dc: {  	s1 =	rddreg [dreg:$0x9];
	[sflag:s5] =	ssyncadd.s32 $0xFFFFE000  }
0x1dd: {  	[tilespmem:s2], [sflag:$0x1] =	stream.linear.gather [hbm4b:s1+s2], $0x2000, $0x38;
	[tilespmem:$0x8000] =	vst v63  }
0x1de: {  	_ =	swait.ge [sflag:s17], $0x2000  }
0x1df: {  	[sflag:s17] =	ssyncset.done $0x0  }
0x1e0: {  	s1 =	rddreg [dreg:$0xa];
	[sflag:s17] =	ssyncadd.s32 $0xFFFFE000  }
0x1e1: {  	[hbm4b:s1+s2] =	stream.linear.scatter [tilespmem:s10], [sflag:$0x7], $0x2000, $0x38;
	[tilespmem:$0x8000] =	vst v63  }
0x1e2: {  	_ =	swait.ge [sflag:s31], $0x2000  }
0x1e3: {  	[sflag:s31] =	ssyncset.done $0x0  }
0x1e4: {  	s1 =	rddreg [dreg:$0xb];
	[sflag:s31] =	ssyncadd.s32 $0xFFFFE000  }
0x1e5: {  	[tilespmem:s15], [sflag:$0x2] =	stream.linear.gather [hbm4b:s1+s2], $0x2000, $0x38;
	[tilespmem:$0x8000] =	vst v63  }
0x1e6: {  	_ =	swait.ge [sflag:s16], $0x2000  }
0x1e7: {  	[sflag:s16] =	ssyncset.done $0x0  }
0x1e8: {  	s1 =	rddreg [dreg:$0xc];
	[sflag:s16] =	ssyncadd.s32 $0xFFFFE000  }
0x1e9: {  	[hbm4b:s1+s2] =	stream.linear.scatter [tilespmem:s9], [sflag:$0x8], $0x2000, $0x38;
	[tilespmem:$0x8000] =	vst v63  }
0x1ea: {  	_ =	swait.ge [sflag:s28], $0x2000  }
0x1eb: {  	[sflag:s28] =	ssyncset.done $0x0  }
0x1ec: {  	s1 =	rddreg [dreg:$0xd];
	[sflag:s28] =	ssyncadd.s32 $0xFFFFE000  }
0x1ed: {  	[tilespmem:s10], [sflag:$0x3] =	stream.linear.gather [hbm4b:s1+s2], $0x2000, $0x38;
	[tilespmem:$0x8000] =	vst v63  }
0x1ee: {  	_ =	swait.ge [sflag:s6], $0x2000  }
0x1ef: {  	[sflag:s6] =	ssyncset.done $0x0  }
0x1f0: {  	s1 =	rddreg [dreg:$0xe];
	[sflag:s6] =	ssyncadd.s32 $0xFFFFE000  }
0x1f1: {  	[hbm4b:s1+s2] =	stream.linear.scatter [tilespmem:s2], [sflag:$0x5], $0x2000, $0x38;
	[tilespmem:$0x8000] =	vst v63  }
0x1f2: {  	_ =	swait.ge [sflag:s12], $0x2000  }
0x1f3: {  	[sflag:s12] =	ssyncset.done $0x0  }
0x1f4: {  	s1 =	rddreg [dreg:$0xf];
	[sflag:s12] =	ssyncadd.s32 $0xFFFFE000  }
0x1f5: {  	[tilespmem:s9], [sflag:$0x4] =	stream.linear.gather [hbm4b:s1+s2], $0x2000, $0x38;
	[tilespmem:$0x8000] =	vst v63  }
0x1f6: {  	_ =	swait.ge [sflag:s19], $0x2000  }
0x1f7: {  	[sflag:s19] =	ssyncset.done $0x0  }
0x1f8: {  	s1 =	rddreg [dreg:$0x10];
	[sflag:s19] =	ssyncadd.s32 $0xFFFFE000  }
0x1f9: {  	[hbm4b:s1+s2] =	stream.linear.scatter [tilespmem:s15], [sflag:$0x6], $0x2000, $0x38;
	[tilespmem:$0x8000] =	vst v63  }
0x1fa: {  	_ =	swait.ge [sflag:s5], $0x2000  }
0x1fb: {  	[sflag:s5] =	ssyncset.done $0x0  }
0x1fc: {  	s1 =	rddreg [dreg:$0x11];
	[sflag:s5] =	ssyncadd.s32 $0xFFFFE000  }
0x1fd: {  	[tilespmem:s2], [sflag:$0x1] =	stream.linear.gather [hbm4b:s1+s2], $0x2000, $0x38;
	[tilespmem:$0x8000] =	vst v63  }
0x1fe: {  	_ =	swait.ge [sflag:s17], $0x2000  }
0x1ff: {  	[sflag:s17] =	ssyncset.done $0x0  }
0x200: {  	s1 =	rddreg [dreg:$0x12];
	[sflag:s17] =	ssyncadd.s32 $0xFFFFE000  }
0x201: {  	[hbm4b:s1+s2] =	stream.linear.scatter [tilespmem:s10], [sflag:$0x7], $0x2000, $0x38;
	[tilespmem:$0x8000] =	vst v63  }
0x202: {  	_ =	swait.ge [sflag:s31], $0x2000  }
0x203: {  	[sflag:s31] =	ssyncset.done $0x0  }
0x204: {  	s1 =	rddreg [dreg:$0x13];
	[sflag:s31] =	ssyncadd.s32 $0xFFFFE000  }
0x205: {  	[tilespmem:s15], [sflag:$0x2] =	stream.linear.gather [hbm4b:s1+s2], $0x2000, $0x38;
	[tilespmem:$0x8000] =	vst v63  }
0x206: {  	_ =	swait.ge [sflag:s16], $0x2000  }
0x207: {  	[sflag:s16] =	ssyncset.done $0x0  }
0x208: {  	s1 =	rddreg [dreg:$0x14];
	[sflag:s16] =	ssyncadd.s32 $0xFFFFE000  }
0x209: {  	[hbm4b:s1+s2] =	stream.linear.scatter [tilespmem:s9], [sflag:$0x8], $0x2000, $0x38;
	[tilespmem:$0x8000] =	vst v63  }
0x20a: {  	_ =	swait.ge [sflag:s28], $0x2000  }
0x20b: {  	[sflag:s28] =	ssyncset.done $0x0  }
0x20c: {  	s1 =	rddreg [dreg:$0x15];
	[sflag:s28] =	ssyncadd.s32 $0xFFFFE000  }
0x20d: {  	[tilespmem:s10], [sflag:$0x3] =	stream.linear.gather [hbm4b:s1+s2], $0x2000, $0x38;
	[tilespmem:$0x8000] =	vst v63  }
0x20e: {  	_ =	swait.ge [sflag:s6], $0x2000  }
0x20f: {  	[sflag:s6] =	ssyncset.done $0x0  }
0x210: {  	s1 =	rddreg [dreg:$0x16];
	[sflag:s6] =	ssyncadd.s32 $0xFFFFE000  }
0x211: {  	[hbm4b:s1+s2] =	stream.linear.scatter [tilespmem:s2], [sflag:$0x5], $0x2000, $0x38;
	[tilespmem:$0x8000] =	vst v63  }
0x212: {  	_ =	swait.ge [sflag:s12], $0x2000  }
0x213: {  	[sflag:s12] =	ssyncset.done $0x0  }
0x214: {  	s1 =	rddreg [dreg:$0x17];
	[sflag:s12] =	ssyncadd.s32 $0xFFFFE000  }
0x215: {  	[tilespmem:s9], [sflag:$0x4] =	stream.linear.gather [hbm4b:s1+s2], $0x2000, $0x38;
	[tilespmem:$0x8000] =	vst v63  }
0x216: {  	_ =	swait.ge [sflag:s19], $0x2000  }
0x217: {  	[sflag:s19] =	ssyncset.done $0x0  }
0x218: {  	s1 =	rddreg [dreg:$0x18];
	[sflag:s19] =	ssyncadd.s32 $0xFFFFE000  }
0x219: {  	[hbm4b:s1+s2] =	stream.linear.scatter [tilespmem:s15], [sflag:$0x6], $0x2000, $0x38;
	[tilespmem:$0x8000] =	vst v63  }
0x21a: {  	_ =	swait.ge [sflag:s5], $0x2000  }
0x21b: {  	[sflag:s5] =	ssyncset.done $0x0  }
0x21c: {  	s1 =	rddreg [dreg:$0x19];
	[sflag:s5] =	ssyncadd.s32 $0xFFFFE000  }
0x21d: {  	[tilespmem:s2], [sflag:$0x1] =	stream.linear.gather [hbm4b:s1+s2], $0x2000, $0x38;
	[tilespmem:$0x8000] =	vst v63  }
0x21e: {  	_ =	swait.ge [sflag:s17], $0x2000  }
0x21f: {  	[sflag:s17] =	ssyncset.done $0x0  }
0x220: {  	s1 =	rddreg [dreg:$0x1a];
	[sflag:s17] =	ssyncadd.s32 $0xFFFFE000  }
0x221: {  	[hbm4b:s1+s2] =	stream.linear.scatter [tilespmem:s10], [sflag:$0x7], $0x2000, $0x38;
	[tilespmem:$0x8000] =	vst v63  }
0x222: {  	_ =	swait.ge [sflag:s31], $0x2000  }
0x223: {  	[sflag:s31] =	ssyncset.done $0x0  }
0x224: {  	s1 =	rddreg [dreg:$0x1b];
	[sflag:s31] =	ssyncadd.s32 $0xFFFFE000  }
0x225: {  	[tilespmem:s15], [sflag:$0x2] =	stream.linear.gather [hbm4b:s1+s2], $0x2000, $0x38;
	[tilespmem:$0x8000] =	vst v63  }
0x226: {  	_ =	swait.ge [sflag:s16], $0x2000  }
0x227: {  	[sflag:s16] =	ssyncset.done $0x0  }
0x228: {  	s1 =	rddreg [dreg:$0x1c];
	[sflag:s16] =	ssyncadd.s32 $0xFFFFE000  }
0x229: {  	[hbm4b:s1+s2] =	stream.linear.scatter [tilespmem:s9], [sflag:$0x8], $0x2000, $0x38;
	[tilespmem:$0x8000] =	vst v63  }
0x22a: {  	_ =	swait.ge [sflag:s28], $0x2000  }
0x22b: {  	[sflag:s28] =	ssyncset.done $0x0  }
0x22c: {  	s1 =	rddreg [dreg:$0x1d];
	[sflag:s28] =	ssyncadd.s32 $0xFFFFE000  }
0x22d: {  	[tilespmem:s10], [sflag:$0x3] =	stream.linear.gather [hbm4b:s1+s2], $0x2000, $0x38;
	[tilespmem:$0x8000] =	vst v63  }
0x22e: {  	_ =	swait.ge [sflag:s6], $0x2000  }
0x22f: {  	[sflag:s6] =	ssyncset.done $0x0  }
0x230: {  	s1 =	rddreg [dreg:$0x1e];
	[sflag:s6] =	ssyncadd.s32 $0xFFFFE000  }
0x231: {  	[hbm4b:s1+s2] =	stream.linear.scatter [tilespmem:s2], [sflag:$0x5], $0x2000, $0x38;
	[tilespmem:$0x8000] =	vst v63  }
0x232: {  	_ =	swait.ge [sflag:s12], $0x2000  }
0x233: {  	[sflag:s12] =	ssyncset.done $0x0  }
0x234: {  	s1 =	rddreg [dreg:$0x1f];
	[sflag:s12] =	ssyncadd.s32 $0xFFFFE000  }
0x235: {  	[tilespmem:s9], [sflag:$0x4] =	stream.linear.gather [hbm4b:s1+s2], $0x2000, $0x38;
	[tilespmem:$0x8000] =	vst v63  }
0x236: {  	_ =	swait.ge [sflag:s19], $0x2000  }
0x237: {  	s1 =	sld [smem:$0x7FA]  }
0x238: {  	[sflag:s19] =	ssyncset.done $0x0  }
0x239: {  	[sflag:s19] =	ssyncadd.s32 $0xFFFFE000  }
0x23a: {  	[hbm4b:s1+s2] =	stream.linear.scatter [tilespmem:s15], [sflag:$0x6], $0x2000, $0x38;
	[tilespmem:$0x8000] =	vst v63  }
0x23b: {  	_ =	swait.ge [sflag:s5], $0x2000  }
0x23c: {  	s1 =	sld [smem:$0x7FB]  }
0x23d: {  	[sflag:s5] =	ssyncset.done $0x0  }
0x23e: {  	[sflag:s5] =	ssyncadd.s32 $0xFFFFE000  }
0x23f: {  	[tilespmem:s2], [sflag:$0x1] =	stream.linear.gather [hbm4b:s1+s2], $0x2000, $0x38;
	[tilespmem:$0x8000] =	vst v63  }
0x240: {  	_ =	swait.ge [sflag:s17], $0x2000  }
0x241: {  	s1 =	sld [smem:$0x7FC]  }
0x242: {  	[sflag:s17] =	ssyncset.done $0x0  }
0x243: {  	[sflag:s17] =	ssyncadd.s32 $0xFFFFE000  }
0x244: {  	[hbm4b:s1+s2] =	stream.linear.scatter [tilespmem:s10], [sflag:$0x7], $0x2000, $0x38;
	[tilespmem:$0x8000] =	vst v63  }
0x245: {  	_ =	swait.ge [sflag:s31], $0x2000  }
0x246: {  	s1 =	sld [smem:$0x7FD]  }
0x247: {  	[sflag:s31] =	ssyncset.done $0x0  }
0x248: {  	[sflag:s31] =	ssyncadd.s32 $0xFFFFE000  }
0x249: {  	[tilespmem:s15], [sflag:$0x2] =	stream.linear.gather [hbm4b:s1+s2], $0x2000, $0x38;
	[tilespmem:$0x8000] =	vst v63  }
0x24a: {  	_ =	swait.ge [sflag:s16], $0x2000  }
0x24b: {  	[sflag:s16] =	ssyncset.done $0x0  }
0x24c: {  	[sflag:s16] =	ssyncadd.s32 $0xFFFFE000  }
0x24d: {  	[hbm4b:s30+s2] =	stream.linear.scatter [tilespmem:s9], [sflag:$0x8], $0x2000, $0x38;
	[tilespmem:$0x8000] =	vst v63  }
0x24e: {  	_ =	swait.ge [sflag:s28], $0x2000  }
0x24f: {  	[sflag:s28] =	ssyncset.done $0x0  }
0x250: {  	[sflag:s28] =	ssyncadd.s32 $0xFFFFE000  }
0x251: {  	[tilespmem:s10], [sflag:$0x3] =	stream.linear.gather [hbm4b:s29+s2], $0x2000, $0x38;
	[tilespmem:$0x8000] =	vst v63  }
0x252: {  	_ =	swait.ge [sflag:s6], $0x2000  }
0x253: {  	[sflag:s6] =	ssyncset.done $0x0  }
0x254: {  	[sflag:s6] =	ssyncadd.s32 $0xFFFFE000  }
0x255: {  	[hbm4b:s26+s2] =	stream.linear.scatter [tilespmem:s2], [sflag:$0x5], $0x2000, $0x38;
	[tilespmem:$0x8000] =	vst v63  }
0x256: {  	_ =	swait.ge [sflag:s12], $0x2000  }
0x257: {  	[sflag:s12] =	ssyncset.done $0x0  }
0x258: {  	[sflag:s12] =	ssyncadd.s32 $0xFFFFE000  }
0x259: {  	[tilespmem:s9], [sflag:$0x4] =	stream.linear.gather [hbm4b:s25+s2], $0x2000, $0x38;
	[tilespmem:$0x8000] =	vst v63  }
0x25a: {  	_ =	swait.ge [sflag:s19], $0x2000  }
0x25b: {  	[sflag:s19] =	ssyncset.done $0x0  }
0x25c: {  	[sflag:s19] =	ssyncadd.s32 $0xFFFFE000  }
0x25d: {  	[hbm4b:s24+s2] =	stream.linear.scatter [tilespmem:s15], [sflag:$0x6], $0x2000, $0x38;
	[tilespmem:$0x8000] =	vst v63  }
0x25e: {  	_ =	swait.ge [sflag:s5], $0x2000  }
0x25f: {  	[sflag:s5] =	ssyncset.done $0x0  }
0x260: {  	[sflag:s5] =	ssyncadd.s32 $0xFFFFE000  }
0x261: {  	[tilespmem:s2], [sflag:$0x1] =	stream.linear.gather [hbm4b:s23+s2], $0x2000, $0x38;
	[tilespmem:$0x8000] =	vst v63  }
0x262: {  	_ =	swait.ge [sflag:s17], $0x2000  }
0x263: {  	[sflag:s17] =	ssyncset.done $0x0  }
0x264: {  	[sflag:s17] =	ssyncadd.s32 $0xFFFFE000  }
0x265: {  	[hbm4b:s22+s2] =	stream.linear.scatter [tilespmem:s10], [sflag:$0x7], $0x2000, $0x38;
	[tilespmem:$0x8000] =	vst v63  }
0x266: {  	_ =	swait.ge [sflag:s31], $0x2000  }
0x267: {  	[sflag:s31] =	ssyncset.done $0x0  }
0x268: {  	[sflag:s31] =	ssyncadd.s32 $0xFFFFE000  }
0x269: {  	[tilespmem:s15], [sflag:$0x2] =	stream.linear.gather [hbm4b:s21+s2], $0x2000, $0x38;
	[tilespmem:$0x8000] =	vst v63  }
0x26a: {  	_ =	swait.ge [sflag:s16], $0x2000  }
0x26b: {  	[sflag:s16] =	ssyncset.done $0x0  }
0x26c: {  	[sflag:s16] =	ssyncadd.s32 $0xFFFFE000  }
0x26d: {  	[hbm4b:s20+s2] =	stream.linear.scatter [tilespmem:s9], [sflag:$0x8], $0x2000, $0x38;
	[tilespmem:$0x8000] =	vst v63  }
0x26e: {  	_ =	swait.ge [sflag:s28], $0x2000  }
0x26f: {  	[sflag:s28] =	ssyncset.done $0x0  }
0x270: {  	[sflag:s28] =	ssyncadd.s32 $0xFFFFE000  }
0x271: {  	[tilespmem:s10], [sflag:$0x3] =	stream.linear.gather [hbm4b:s18+s2], $0x2000, $0x38;
	[tilespmem:$0x8000] =	vst v63  }
0x272: {  	_ =	swait.ge [sflag:s6], $0x2000  }
0x273: {  	[sflag:s6] =	ssyncset.done $0x0  }
0x274: {  	[sflag:s6] =	ssyncadd.s32 $0xFFFFE000  }
0x275: {  	[hbm4b:s14+s2] =	stream.linear.scatter [tilespmem:s2], [sflag:$0x5], $0x2000, $0x38;
	[tilespmem:$0x8000] =	vst v63  }
0x276: {  	_ =	swait.ge [sflag:s12], $0x2000  }
0x277: {  	[sflag:s12] =	ssyncset.done $0x0  }
0x278: {  	[sflag:s12] =	ssyncadd.s32 $0xFFFFE000  }
0x279: {  	[tilespmem:s9], [sflag:$0x4] =	stream.linear.gather [hbm4b:s13+s2], $0x2000, $0x38;
	[tilespmem:$0x8000] =	vst v63  }
0x27a: {  	_ =	swait.ge [sflag:s19], $0x2000  }
0x27b: {  	[sflag:s19] =	ssyncset.done $0x0  }
0x27c: {  	[sflag:s19] =	ssyncadd.s32 $0xFFFFE000  }
0x27d: {  	[hbm4b:s11+s2] =	stream.linear.scatter [tilespmem:s15], [sflag:$0x6], $0x2000, $0x38;
	[tilespmem:$0x8000] =	vst v63  }
0x27e: {  	_ =	swait.ge [sflag:s5], $0x2000  }
0x27f: {  	[sflag:s5] =	ssyncset.done $0x0  }
0x280: {  	[sflag:s5] =	ssyncadd.s32 $0xFFFFE000  }
0x281: {  	[tilespmem:s2], [sflag:$0x1] =	stream.linear.gather [hbm4b:s8+s2], $0x2000, $0x38;
	[tilespmem:$0x8000] =	vst v63  }
0x282: {  	_ =	swait.ge [sflag:s17], $0x2000  }
0x283: {  	[sflag:s17] =	ssyncset.done $0x0  }
0x284: {  	[sflag:s17] =	ssyncadd.s32 $0xFFFFE000  }
0x285: {  	[hbm4b:s7+s2] =	stream.linear.scatter [tilespmem:s10], [sflag:$0x7], $0x2000, $0x38;
	[tilespmem:$0x8000] =	vst v63  }
0x286: {  	_ =	swait.ge [sflag:s16], $0x2000  }
0x287: {  	[sflag:s16] =	ssyncset.done $0x0  }
0x288: {  	[sflag:s16] =	ssyncadd.s32 $0xFFFFE000  }
0x289: {  	[hbm4b:s4+s2] =	stream.linear.scatter [tilespmem:s9], [sflag:$0x8], $0x2000, $0x38;
	[tilespmem:$0x8000] =	vst v63  }
0x28a: {  	_ =	swait.ge [sflag:s6], $0x2000  }
0x28b: {  	[sflag:s6] =	ssyncset.done $0x0  }
0x28c: {  	[sflag:s6] =	ssyncadd.s32 $0xFFFFE000  }
0x28d: {  	[hbm4b:s3+s2] =	stream.linear.scatter [tilespmem:s2], [sflag:$0x5], $0x2000, $0x38;
	[tilespmem:$0x8000] =	vst v63  }
0x28e: {  	_ =	swait.ge [sflag:s12], $0x2000  }
0x28f: {  	[sflag:s12] =	ssyncset.done $0x0  }
0x290: {  	[sflag:s12] =	ssyncadd.s32 $0xFFFFE000  }
0x291: {  	_ =	swait.ge [sflag:s5], $0x2000  }
0x292: {  	[sflag:s5] =	ssyncset.done $0x0  }
0x293: {  	[sflag:s5] =	ssyncadd.s32 $0xFFFFE000  }
0x294: {  	_ =	sfence.sel $0x180000  }
0x295: {  	[bflag:$0x0] =	sbarrier.arrive $0xFFFF  }
0x296: {  	_ =	strace $0x90000047  }
0x297: {  	s31 =	stileid.u32;
	[bflag:$0x2] =	sbarrier.arrive $0xFFFF  }
0x298: {  	p0 =	sne.s32 s31, $0x0;
	s0 =	rddreg [dreg:$0x2]  }
0x299: {  	s0 =	sadd.s32 @!p0 $0x100000, s0  }
0x29a: {  	[sflag:s0] =	ssyncadd.tile.s32 @!p0 $0x1;
	_ =	shalt  }
.Lfunc_end2:
_tile_overlayer_lowered:
.L_overlay_start_2:
0x29b: {  	(tag) =	ssettag $0x2  }
0x29c: {  	s0 =	rddreg [dreg:$0x0];
	s2 =	stileid.u32  }
0x29d: {  	s1 =	rddreg [dreg:$0x1];
	p0 =	sne.s32 s2, $0x0  }
0x29e: {  	s3 =	rddreg [dreg:$0x2];
	[bflag:$0x3] =	sbarrier.arrive $0xFFFF;
	s2 =	simm.s32 @!p0 $0x1C09  }
0x29f: {  	[timem:s3], [sflag:s2] =	dma.local @!p0 [hbm:s0], s1  }
0x2a0: {  	s0 =	simm.s32 @!p0 $0x9  }
0x2a1: {  	_ =	swait.ge @!p0 [sflag:s0], s1  }
0x2a2: {  	s1 =	ssub.s32 @!p0 $0x0, s1;
	[sflag:s0] =	ssyncset.done @!p0 $0x0  }
0x2a3: {  	[sflag:s0] =	ssyncadd.s32 @!p0 s1  }
0x2a4: {  	[bflag:$0x3] =	sbarrier.arrive $0xFFFF  }
0x2a5: {  	_ =	shalt  }

// kernel: sparse-core-data-format-call.cloned.1.call-start
scs
called_computation_lowered:
.L_overlay_start_0:
0x0: {  	s2 =	sld [smem:$0x3FD9]  }
0x1: {  	s3 =	sld [smem:$0x3FFE];
	_ =	sdelay $0x1  }
0x2: {  	s1 =	srdreg.scid  }
0x3: {  	s0 =	sand.u32 $0x1, s1  }
0x4: {  	s18 =	sshll.u32 s0, $0xA;
	s2 =	sadd.s32 s3, s2  }
0x5: {  	s2 =	sadd.s32 s2, s18  }
0x6: {  	[smem:$0x3FC2] =	sst s2  }
0x7: {  	_ = 	snop  }
0x8: {  	s2 =	sld [smem:$0x3FD0];
	(tm) =	ssettm $0x1  }
0x9: {  	s19 =	sld [smem:$0x3FFB];
	_ =	sdelay $0x3  }
0xa: {  	_ =	strace s19  }
0xb: {  	s3 =	sld [smem:$0x3FFC];
	_ =	sdelay $0x3  }
0xc: {  	_ =	strace s3  }
0xd: {  	s3 =	sld [smem:$0x3FFD];
	_ =	sdelay $0x3  }
0xe: {  	_ =	strace s3  }
0xf: {  	_ =	strace $0x8FFFFFFF  }
0x10: {  	s20 =	sld [smem:$0x3FDB];
	_ =	sdelay $0x1  }
0x11: {  	s4 =	simm.s32 $_scs_section_size  }
0x12: {  	s5 =	simm.s32 $_size__tile_overlayer_lowered;
	s6 =	simm.s32 $_tile_overlayer_lowered  }
0x13: {  	s23 =	simm.s32 $0x1BFF;
	s22 =	sshll.u32 s6, $0x1;
	s3 =	sadd.s32 s4, s20  }
0x14: {  	s7 =	simm.s32 $0x0;
	s21 =	sshll.u32 s5, $0x1;
	s5 =	sadd.s32 s22, s3  }
0x15: {  	[timem:s7], [sflag:s23] =	dma.local [hbm:s5], s21  }
0x16: {  	_ =	swait.ge [sflag:s23], s21  }
0x17: {  	s4 =	ssub.s32 $0x0, s21;
	[sflag:s23] =	ssyncset.done $0x0  }
0x18: {  	[sflag:s23] =	ssyncadd.s32 s4;
	_ =	sdelay $0x1  }
0x19: {  	s24 =	simm.s32 $0x1B8B  }
0x1a: {  	_ =	swait.ge [sflag:s24], $0x1  }
0x1b: {  	[sflag:s24] =	ssyncset.done $0x0  }
0x1c: {  	s26 =	simm.s32 $0x1B8E;
	s25 =	sld [smem:$0x3FFE];
	[sflag:s24] =	ssyncadd.s32 $0xFFFFFFFF  }
0x1d: {  	s27 =	simm.s32 $execute0_lowered;
	[smem:$0x3FD2] =	sst s26  }
0x1e: {  	s5 =	sshll.u32 s27, $0x1;
	_ =	strace $0x80000049;
	[dreg:$0x1] =	wrdreg $0xFFFFFFFF  }
0x1f: {  	s28 =	simm.s32 $_size_execute0_lowered;
	s3 =	sadd.s32 s3, s5;
	[dreg:$0x0] =	wrdreg $0x0  }
0x20: {  	s5 =	sshll.u32 s28, $0x1;
	[dreg:$0x2] =	wrdreg s3  }
0x21: {  	[dreg:$0x3] =	wrdreg s5  }
0x22: {  	[dreg:$0x4] =	wrdreg $0xC0  }
0x23: {  	_ =	task [dreg:s7], $0x5FFFF  }
0x24: {  	[dreg:$0x1] =	wrdreg $0xFFFFFFFF  }
0x25: {  	[dreg:$0x0] =	wrdreg $0x60  }
0x26: {  	[dreg:$0x2] =	wrdreg s25  }
0x27: {  	[dreg:$0x3] =	wrdreg s2  }
0x28: {  	[dreg:$0x4] =	wrdreg $0x9  }
0x29: {  	_ =	task.clear_ibuf [dreg:s7], $0x5FFFF;
	_ =	strace $0x90000049  }
0x2a: {  	s29 =	simm.s32 $0x9;
	_ =	strace $0x8000004B  }
0x2b: {  	_ =	swait.ge [sflag:s29], $0x1  }
0x2c: {  	[sflag:s29] =	ssyncadd.s32 $0xFFFFFFFF  }
0x2d: {  	_ =	strace $0x9000004B  }
0x2e: {  	_ =	sfence  }
0x2f: {  	s30 =	sld [smem:$0x0];
	_ =	sdelay $0x2  }
0x30: {  	s31 =	sshll.u32 s1, $0xD;
	s1 =	sshrl.u32 s1, $0x2  }
0x31: {  	s3 =	sand.u32 $0x4000, s31;
	s1 =	sadd.s32 s1, s30  }
0x32: {  	s0 =	sor.u32 s3, s0;
	s1 =	sshll.u32 s1, $0x11  }
0x33: {  	s0 =	sor.u32 s1, s0  }
0x34: {  	s0 =	sadd.s32 $0x8F2B, s0  }
0x35: {  	[sflag:s0] =	ssyncadd.remote.s32 $0x1  }
0x36: {  	_ =	sfence.sel $0xFFFF  }
0x37: {  	[dreg:$0x0] =	wrdreg $0xFFFFFFFF;
	(pc) =	sbr.abs _section_cstart, $3  }
0x38: {  	[dreg:$0x1] =	wrdreg $0xFFFFFFFF  }
0x39: {  	_ =	task.clear_ibuf [dreg:s7], $0x2FFFF;
	_ =	strace $0x9FFFFFFF  }
0x3a: {  	(tm) =	ssettm $0x7FFFFFFF  }
0x3b: {  	_ =	shalt  }
tec
execute0_lowered:
.L_overlay_start_1:
0x0: {  	(tag) =	ssettag $0x1  }
0x1: {  	s0 =	srdreg.scid  }
0x2: {  	s1 =	sshll.u32 s0, $0x4  }
0x3: {  	s4 =	rddreg [dreg:$0x0];
	s0 =	stileid.u32;
	s1 =	sand.u32 $0x10, s1  }
0x4: {  	s3 =	rddreg [dreg:$0x1];
	s8 =	sor.u32 s0, s1  }
0x5: {  	s9 =	simm.s32 $0x2;
	s16 =	simm.s32 $0x0;
	s1 =	sshll.u32 s8, $0x5  }
0x6: {  	s10 =	simm.s32 $0x400;
	s11 =	simm.s32 $0x2000;
	s2 =	sand.u32 $0x380, s1  }
0x7: {  	s12 =	simm.s32 $0x0;
	s17 =	simm.s32 $0x0;
	s5 =	ssub.s32 $0x400, s2  }
0x8: {  	s18 =	simm.s32 $0x0;
	s14 =	simm.s32 $0x0;
	s6 =	sand.u32 $0x380, s5  }
0x9: {  	s15 =	simm.s32 $0x0;
	p0 =	sne.s32 s6, $0x0;
	s6 =	simm.s32 $0x1  }
.Ltmp0:
0xa: {  	s7 =	sshrl.u32 s5, $0xA;
	s6 =	simm.s32 @!p0 $0x0;
	(pc) =	sbr.rel .LBB1_1-.Ltmp0, $4  }
0xb: {  	s4 =	sadd.s32 $0x1200, s4;
	s1 =	rddreg [dreg:$0x2];
	s6 =	sadd.s32 s6, s7  }
0xc: {  	_ =	strace $0x8000004A;
	s5 =	simm.s32 $0x1;
	s6 =	smul.u32 $0x19, s6  }
0xd: {  	s8 =	sshll.u32 s8, $0x8;
	[sflag:s5] =	ssyncpa.u1 $0x0;
	s7 =	sand.u32 $0x3, s0  }
0xe: {  	[sflag:s9] =	ssyncpa.u1 $0x0;
	s13 =	smov.u32 s7;
	s9 =	sadd.s32 $0x1, s6  }
.LBB1_4:
0xf: {  	_ =	sdelay $0x3  }
0x10: {  	[tilespmem:v0+s21+$0xFFFFFFD0 ss:$0x1] =	vst.idx.msk $0xffff, v6  }
0x11: {  	v56 =	vld.idx.msk [tilespmem:v1+s20+$0x0 ss:$0x1], $0xffff;
	[tilespmem:v0+s21+$0xFFFFFFE0 ss:$0x1] =	vst.idx.msk $0xffff, v4  }
0x12: {  	v57 =	vld.idx.msk [tilespmem:v1+s20+$0xFFFFFF90 ss:$0x1], $0xffff;
	[tilespmem:v0+s21+$0xFFFFFFF0 ss:$0x1] =	vst.idx.msk $0xffff, v2  }
0x13: {  	v58 =	vld.idx.msk [tilespmem:v1+s20+$0xFFFFFFA0 ss:$0x1], $0xffff;
	[tilespmem:v0+s21+$0x0 ss:$0x1] =	vst.idx.msk $0xffff, v3  }
0x14: {  	v59 =	vld.idx.msk [tilespmem:v1+s20+$0xFFFFFFB0 ss:$0x1], $0xffff;
	[tilespmem:v0+s21+$0x10 ss:$0x1] =	vst.idx.msk $0xffff, v5  }
0x15: {  	v60 =	vld.idx.msk [tilespmem:v1+s20+$0xFFFFFFC0 ss:$0x1], $0xffff;
	[tilespmem:v0+s21+$0x20 ss:$0x1] =	vst.idx.msk $0xffff, v7  }
0x16: {  	v61 =	vld.idx.msk [tilespmem:v1+s20+$0xFFFFFFD0 ss:$0x1], $0xffff;
	[tilespmem:v0+s20+$0x30 ss:$0x1] =	vst.idx.msk $0xffff, v56  }
0x17: {  	v62 =	vld.idx.msk [tilespmem:v1+s20+$0xFFFFFFE0 ss:$0x1], $0xffff;
	[tilespmem:v0+s20+$0xFFFFFFC0 ss:$0x1] =	vst.idx.msk $0xffff, v57  }
0x18: {  	v63 =	vld.idx.msk [tilespmem:v1+s20+$0xFFFFFFF0 ss:$0x1], $0xffff;
	[tilespmem:v0+s20+$0xFFFFFFD0 ss:$0x1] =	vst.idx.msk $0xffff, v58  }
0x19: {  	[tilespmem:v0+s20+$0xFFFFFFE0 ss:$0x1] =	vst.idx.msk $0xffff, v59  }
0x1a: {  	s30 =	sshll.u32 s18, $0x7;
	s17 =	sshll.u32 s17, $0xE;
	s31 =	sshll.u32 s18, $0x4;
	[tilespmem:v0+s20+$0xFFFFFFF0 ss:$0x1] =	vst.idx.msk $0xffff, v60  }
0x1b: {  	s21 =	sand.u32 $0x3C00, s30;
	s18 =	sand.u32 $0x70, s31;
	s17 =	sadd.s32 s3, s17;
	[tilespmem:v0+s20+$0x0 ss:$0x1] =	vst.idx.msk $0xffff, v61  }
0x1c: {  	s16 =	sor.u32 s16, s21;
	s17 =	sadd.s32 s18, s17;
	[tilespmem:v0+s20+$0x10 ss:$0x1] =	vst.idx.msk $0xffff, v62  }
0x1d: {  	s16 =	sadd.s32 s16, s17;
	[tilespmem:v0+s20+$0x20 ss:$0x1] =	vst.idx.msk $0xffff, v63  }
0x1e: {  	[hbm4b:s16+s10] =	stream.strided.scatter [tilespmem:s19], [sflag:$0x2], $0x4000, s11, s10, $0x38;
	[tilespmem:$0x10000] =	vst v63  }
.LBB1_5:
0x1f: {  	s19 =	sadd.s32 $0x4, s13  }
0x20: {  	s17 =	sadd.s32 $0x80, s14;
	s20 =	smov.u32 s14;
	p1 =	sgt.s32 s19, $0x63  }
0x21: {  	s20 =	smov.u32 @p1 s17  }
0x22: {  	s19 =	smov.u32 @p1 s7;
	p1 =	sgt.s32 s20, $0x7F  }
0x23: {  	s20 =	simm.s32 @p1 $0x0;
	p1 =	sne.s32 s15, s9  }
.Ltmp1:
0x24: {  	p0 =	slt.u32 s15, $0x2;
	(pc) =	sbr.rel @!p1 .LBB1_6-.Ltmp1, $4  }
0x25: {  	s18 =	smov.u32 s14;
	s16 =	simm.s32 @!p0 $0x2  }
0x26: {  	s12 =	sadd.s32 $0x4000, s12;
	_ =	swait.ge @!p0 [sflag:s16], $0x4000;
	s17 =	smov.u32 s13  }
0x27: {  	[sflag:s16] =	ssyncset.done @!p0 $0x0;
	s13 =	smov.u32 s19;
	s15 =	sadd.s32 $0x1, s15  }
0x28: {  	[sflag:s16] =	ssyncadd.s32 @!p0 $0xFFFFC000;
	s16 =	smov.u32 s2;
	s14 =	smov.u32 s20  }
.LBB1_1:
0x29: {  	p0 =	sge.u32 s15, s6  }
0x2a: {  	s19 =	sshll.u32 @!p0 s13, $0xA  }
0x2b: {  	s19 =	sand.u32 @!p0 $0xFFFFE000, s19  }
0x2c: {  	s19 =	sor.u32 @!p0 s8, s19  }
0x2d: {  	s19 =	sshrl.u32 @!p0 s19, $0xA  }
0x2e: {  	s20 =	smulhi.u32 @!p0 $0x2762763, s19;
	_ =	sdelay $0x1  }
0x2f: {  	s20 =	smul.u32 @!p0 $0x68, s20  }
0x30: {  	s31 =	sadd.s32 $0xFFFFFFFF, s15;
	s21 =	smul.u32 @!p0 $0x3400, s14  }
0x31: {  	s22 =	sxor.u32 @!p0 $0xFFFFFFFF, s15;
	s19 =	ssub.s32 @!p0 s19, s20;
	s20 =	sshll.u32 @!p0 s13, $0x4  }
0x32: {  	s22 =	sshll.u32 @!p0 s22, $0xE;
	s21 =	sadd.s32 @!p0 s4, s21;
	s20 =	sand.u32 @!p0 $0x70, s20  }
0x33: {  	s22 =	sand.u32 @!p0 $0x4000, s22;
	s19 =	sshll.u32 @!p0 s19, $0x7;
	s20 =	sadd.s32 @!p0 s20, s21  }
0x34: {  	s21 =	simm.s32 @!p0 $0x1A000;
	s19 =	sadd.s32 @!p0 s19, s20;
	s20 =	simm.s32 @!p0 $0x80  }
0x35: {  	[tilespmem:s22], [sflag:$0x1] =	stream.strided.gather @!p0 [hbm4b:s19+s20], $0x4000, s21, s20, $0x38;
	[tilespmem:$0x10000] =	vst v63  }
0x36: {  	p0 =	sge.u32 s31, s6  }
.Ltmp2:
0x37: {  	_ = 	snop;
	(pc) =	sbr.rel @p0 .LBB1_5-.Ltmp2, $1  }
0x38: {  	_ =	sdelay $0x3  }
0x39: {  	s19 =	sand.u32 $0x4000, s12  }
0x3a: {  	s20 =	sor.u32 $0x70, s19  }
0x3b: {  	v1 =	vmov s20;
	_ =	sdelay $0x1  }
0x3c: {  	_ =	swait.ge [sflag:s5], $0x4000  }
0x3d: {  	[sflag:s5] =	ssyncset.done $0x0  }
0x3e: {  	s21 =	simm.s32 $0x0;
	[sflag:s5] =	ssyncadd.s32 $0xFFFFC000  }
0x3f: {  	s19 =	sor.u32 $0x8040, s19;
	v7 =	vld.idx.msk [tilespmem:v1+s21+$0x0 ss:$0x1], $0xffff  }
0x40: {  	v0 =	vmov s19;
	v8 =	vld.idx.msk [tilespmem:v1+s21+$0xFFFFFF90 ss:$0x1], $0xffff  }
0x41: {  	v6 =	vld.idx.msk [tilespmem:v1+s21+$0xFFFFFFA0 ss:$0x1], $0xffff  }
0x42: {  	v4 =	vld.idx.msk [tilespmem:v1+s21+$0xFFFFFFB0 ss:$0x1], $0xffff  }
0x43: {  	v2 =	vld.idx.msk [tilespmem:v1+s21+$0xFFFFFFC0 ss:$0x1], $0xffff  }
0x44: {  	s31 =	sshll.u32 s15, $0xE;
	v3 =	vld.idx.msk [tilespmem:v1+s21+$0xFFFFFFD0 ss:$0x1], $0xffff  }
0x45: {  	s19 =	sand.u32 $0x4000, s31;
	v5 =	vld.idx.msk [tilespmem:v1+s21+$0xFFFFFFE0 ss:$0x1], $0xffff;
	[tilespmem:v0+s21+$0x30 ss:$0x1] =	vst.idx.msk $0xffff, v7  }
0x46: {  	s22 =	simm.s32 $0x400;
	s20 =	simm.s32 $0x80;
	s19 =	sor.u32 $0x8000, s19;
	[tilespmem:v0+s21+$0xFFFFFFC0 ss:$0x1] =	vst.idx.msk $0xffff, v8;
	v7 =	vld.idx.msk [tilespmem:v1+s21+$0xFFFFFFF0 ss:$0x1], $0xffff  }
.LBB1_3:
0x47: {  	p0 =	sne.s32 s22, $0xFE00;
	v8 =	vld.idx.msk [tilespmem:v1+s20+$0x0 ss:$0x1], $0xffff;
	[tilespmem:v0+s21+$0xFFFFFFD0 ss:$0x1] =	vst.idx.msk $0xffff, v6  }
0x48: {  	v9 =	vld.idx.msk [tilespmem:v1+s20+$0xFFFFFF90 ss:$0x1], $0xffff;
	[tilespmem:v0+s21+$0xFFFFFFE0 ss:$0x1] =	vst.idx.msk $0xffff, v4  }
0x49: {  	v6 =	vld.idx.msk [tilespmem:v1+s20+$0xFFFFFFA0 ss:$0x1], $0xffff;
	[tilespmem:v0+s21+$0xFFFFFFF0 ss:$0x1] =	vst.idx.msk $0xffff, v2  }
.Ltmp3:
0x4a: {  	v4 =	vld.idx.msk [tilespmem:v1+s20+$0xFFFFFFB0 ss:$0x1], $0xffff;
	[tilespmem:v0+s21+$0x0 ss:$0x1] =	vst.idx.msk $0xffff, v3;
	(pc) =	sbr.rel @p0 .LBB1_3-.Ltmp3, $4  }
0x4b: {  	v2 =	vld.idx.msk [tilespmem:v1+s20+$0xFFFFFFC0 ss:$0x1], $0xffff;
	[tilespmem:v0+s21+$0x10 ss:$0x1] =	vst.idx.msk $0xffff, v5  }
0x4c: {  	v3 =	vld.idx.msk [tilespmem:v1+s20+$0xFFFFFFD0 ss:$0x1], $0xffff;
	[tilespmem:v0+s21+$0x20 ss:$0x1] =	vst.idx.msk $0xffff, v7;
	s21 =	smov.u32 s20  }
0x4d: {  	v5 =	vld.idx.msk [tilespmem:v1+s21+$0xFFFFFFE0 ss:$0x1], $0xffff;
	[tilespmem:v0+s21+$0x30 ss:$0x1] =	vst.idx.msk $0xffff, v8  }
0x4e: {  	s20 =	sshra.s32 s22, $0x2;
	s22 =	sadd.s32 $0x200, s22;
	[tilespmem:v0+s21+$0xFFFFFFC0 ss:$0x1] =	vst.idx.msk $0xffff, v9;
	v7 =	vld.idx.msk [tilespmem:v1+s21+$0xFFFFFFF0 ss:$0x1], $0xffff  }
.Ltmp4:
0x4f: {  	_ = 	snop;
	(pc) =	sbr.rel .LBB1_4-.Ltmp4, $1  }
0x50: {  	_ =	sdelay $0x3  }
.LBB1_6:
0x51: {  	_ =	sfence.sel $0x180000  }
0x52: {  	s2 =	simm.s32 $0x1;
	[bflag:$0x0] =	sbarrier.arrive $0xFFFF  }
0x53: {  	s31 =	simm.s32 $0x2;
	[sflag:s2] =	ssyncpa.u1 $0x1  }
0x54: {  	[sflag:s31] =	ssyncpa.u1 $0x1  }
0x55: {  	p0 =	sne.s32 s0, $0x0;
	_ =	strace $0x9000004A  }
0x56: {  	s0 =	sadd.s32 @!p0 $0x100000, s1;
	[bflag:$0x2] =	sbarrier.arrive $0xFFFF  }
0x57: {  	[sflag:s0] =	ssyncadd.tile.s32 @!p0 $0x1;
	_ =	shalt  }
.Lfunc_end1:
_tile_overlayer_lowered:
.L_overlay_start_2:
0x58: {  	(tag) =	ssettag $0x2  }
0x59: {  	s0 =	rddreg [dreg:$0x0];
	s2 =	stileid.u32  }
0x5a: {  	s1 =	rddreg [dreg:$0x1];
	p0 =	sne.s32 s2, $0x0  }
0x5b: {  	s3 =	rddreg [dreg:$0x2];
	[bflag:$0x3] =	sbarrier.arrive $0xFFFF;
	s2 =	simm.s32 @!p0 $0x1C01  }
0x5c: {  	[timem:s3], [sflag:s2] =	dma.local @!p0 [hbm:s0], s1  }
0x5d: {  	s0 =	simm.s32 @!p0 $0x1  }
0x5e: {  	_ =	swait.ge @!p0 [sflag:s0], s1  }
0x5f: {  	s1 =	ssub.s32 @!p0 $0x0, s1;
	[sflag:s0] =	ssyncset.done @!p0 $0x0  }
0x60: {  	[sflag:s0] =	ssyncadd.s32 @!p0 s1  }
0x61: {  	[bflag:$0x3] =	sbarrier.arrive $0xFFFF  }
0x62: {  	_ =	shalt  }

</sc_bundles>
